<compile_context>
chip_gen: v7x
topology: tpu7x:2x2x1
jax: 0.10.2.dev20260603
libtpu: 0.0.44.dev20260713+nightly
codegen_flags: <defaults>
</compile_context>

<pallas_src>
import functools
import math

import jax
import jax.numpy as jnp
import numpy as np
from jax import lax
from jax.experimental import pallas as pl
from jax.experimental.pallas import tpu as pltpu
from jax.experimental.pallas import tpu_sc as plsc

_ROT_A = (13, 15, 26, 6)
_ROT_B = (17, 29, 16, 24)
_KS = (0, 42, 0x1BD11BDA ^ 42)
_MINV = float(np.float32(1e-10))
_SCALE = float(np.float32(np.float32(1.0) - np.float32(1e-10)))


def _rotl(x, r):
    return lax.shift_left(x, jnp.int32(r)) | lax.shift_right_logical(
        x, jnp.int32(32 - r))


def _threefry_bits(c):
    x1 = c + jnp.int32(_KS[1])
    x0 = x1
    x1 = _rotl(x1, _ROT_A[0]) ^ x0
    ks = [_KS[1], _KS[2], _KS[0]]
    rots = [_ROT_A, _ROT_B]
    first = True
    for it in range(5):
        for r in rots[0]:
            if first:
                first = False
                continue
            x0 = x0 + x1
            x1 = _rotl(x1, r)
            x1 = x0 ^ x1
        x0 = x0 + jnp.int32(ks[0])
        x1 = x1 + jnp.int32((ks[1] + it + 1) & 0xFFFFFFFF)
        ks = ks[1:] + ks[:1]
        rots = rots[1:] + rots[:1]
    return x0 ^ x1


def _gumbel(c):
    bits = _threefry_bits(c)
    fb = lax.shift_right_logical(bits, jnp.int32(9)) | jnp.int32(0x3F800000)
    f = lax.bitcast_convert_type(fb, jnp.float32) - jnp.float32(1.0)
    u = f + jnp.float32(_MINV)
    return -jnp.log(-jnp.log(u))


def _vreg_max_tree(z, R, W):
    parts = [z[:, i * 128:(i + 1) * 128] for i in range(W // 128)]
    while len(parts) > 1:
        nxt = [jnp.maximum(parts[i], parts[i + 1])
               for i in range(0, len(parts) - 1, 2)]
        if len(parts) % 2:
            nxt.append(parts[-1])
        parts = nxt
    return parts[0]


def _scan_kernel(x_ref, obv_ref, obc_ref, oz_ref, av_ref, ac_ref, *,
                 V, R, BN, NB, W, CH, LCH):
    g = pl.program_id(0)
    j = pl.program_id(1)
    oz_ref[...] = jnp.zeros((R, BN), jnp.float32)
    lane = lax.broadcasted_iota(jnp.int32, (R, W), 1)
    rowbase = (lax.broadcasted_iota(jnp.int32, (R, W), 0) + g * R) * jnp.int32(V)
    base = rowbase + lane

    @pl.when(j == 0)
    def _():
        av_ref[...] = jnp.full((R, 128), -jnp.inf, jnp.float32)
        ac_ref[...] = jnp.zeros((R, 128), jnp.int32)

    def make_body(masked):
        def body(k, carry):
            av, ac = carry
            off = j * BN + k * W
            c = base + off
            z = x_ref[:, pl.ds(k * W, W)] + _gumbel(c)
            if masked:
                z = jnp.where(lane + off < V, z, -jnp.inf)
            cmax = _vreg_max_tree(z, R, W)
            upd = cmax > av
            av = jnp.where(upd, cmax, av)
            ac = jnp.where(upd, j * CH + k, ac)
            return av, ac
        return body

    @pl.when(j < NB - 1)
    def _():
        av, ac = lax.fori_loop(0, CH, make_body(False),
                               (av_ref[...], ac_ref[...]), unroll=False)
        av_ref[...] = av
        ac_ref[...] = ac

    @pl.when(j == NB - 1)
    def _():
        av, ac = lax.fori_loop(0, LCH, make_body(True),
                               (av_ref[...], ac_ref[...]), unroll=False)
        m = jnp.max(av, axis=1, keepdims=True)
        cand = jnp.where(av == m, ac, jnp.int32(0x7FFFFFFF))
        obv_ref[...] = m
        obc_ref[...] = jnp.min(cand, axis=1, keepdims=True)


def _locate_kernel(bc_ref, x_ref, bv_ref, oidx_ref, *, V, R, W):
    b = pl.program_id(0)
    chunk = bc_ref[b]
    colbase = chunk * W
    rowi = lax.broadcasted_iota(jnp.int32, (R, W), 0)
    col = lax.broadcasted_iota(jnp.int32, (R, W), 1) + colbase
    c = ((b // R) * R + rowi) * jnp.int32(V) + col
    z = x_ref[...] + _gumbel(c)
    hit = (z == bv_ref[b, 0]) & (col < V) & (rowi == b % R)
    cand = jnp.where(hit, col, jnp.int32(0x7FFFFFFF))
    oidx_ref[b, 0] = jnp.min(cand) + b * jnp.int32(V)


def _sc_scatter_kernel(pos_hbm, out_ref, pos_v, ones_v, sem, *, B):
    @pl.when((lax.axis_index("c") == 0) & (lax.axis_index("s") == 0))
    def _():
        pltpu.sync_copy(pos_hbm, pos_v)
        for q in range(B // 16):
            ones_v[pl.ds(q * 16, 16)] = jnp.ones((16,), jnp.float32)
        pltpu.async_copy(ones_v, out_ref.at[pos_v], sem).wait()


def kernel(logits):
    B, V = logits.shape
    R = 8
    G = B // R
    W = 2048 if V >= 2048 else 512
    CH = 64 if V >= 131072 else 1
    BN = W * CH
    NB = math.ceil(V / BN)
    LCH = math.ceil((V - (NB - 1) * BN) / W)

    bv, bc, zeros = pl.pallas_call(
        functools.partial(_scan_kernel, V=V, R=R, BN=BN, NB=NB, W=W,
                          CH=CH, LCH=LCH),
        grid=(G, NB),
        in_specs=[pl.BlockSpec((R, BN), lambda g, j: (g, j))],
        out_specs=[pl.BlockSpec((R, 1), lambda g, j: (g, 0)),
                   pl.BlockSpec((R, 1), lambda g, j: (g, 0)),
                   pl.BlockSpec((R, BN), lambda g, j: (g, j))],
        out_shape=[jax.ShapeDtypeStruct((B, 1), jnp.float32),
                   jax.ShapeDtypeStruct((B, 1), jnp.int32),
                   jax.ShapeDtypeStruct((B, V), jnp.float32)],
        scratch_shapes=[
            pltpu.VMEM((R, 128), jnp.float32),
            pltpu.VMEM((R, 128), jnp.int32),
        ],
    )(logits)

    idx = pl.pallas_call(
        functools.partial(_locate_kernel, V=V, R=R, W=W),
        grid_spec=pltpu.PrefetchScalarGridSpec(
            num_scalar_prefetch=1,
            grid=(B,),
            in_specs=[
                pl.BlockSpec((R, W), lambda b, bc: (b // R, bc[b])),
                pl.BlockSpec(memory_space=pltpu.SMEM),
            ],
            out_specs=pl.BlockSpec(memory_space=pltpu.SMEM),
        ),
        out_shape=jax.ShapeDtypeStruct((B, 1), jnp.int32),
    )(bc.reshape(B), logits, bv)

    pos = idx.reshape(B)

    mesh = plsc.VectorSubcoreMesh(core_axis_name="c", subcore_axis_name="s")
    scatter = functools.partial(
        pl.kernel,
        mesh=mesh,
        scratch_types=[pltpu.VMEM((B,), jnp.int32),
                       pltpu.VMEM((B,), jnp.float32),
                       pltpu.SemaphoreType.DMA],
    )(functools.partial(_sc_scatter_kernel, B=B))
    out_ref = jax.new_ref(zeros.reshape(B * V))
    scatter(pos, out_ref)
    return out_ref[...].reshape(B, V)

# --- scband reference (transcript-rebuilt; emitter-appended) ---
"""Pipeline reference for scband-gumbel-softmax-comparison-12859132084865 (READ-ONLY COPY).

The authoritative reference and input builder live on the scoring server;
editing this copy changes nothing except your own understanding.
"""

import jax, jax.numpy as jnp
import numpy as np

TEMPERATURE = 1.0
BATCH = 64
VOCAB = 1000000


def setup_inputs(seed: int = 0) -> dict:
    key = jax.random.key(seed)
    logits = jax.random.normal(key, (BATCH, VOCAB), dtype=jnp.float32)
    return {"logits": logits}


def reference(logits):
    # Faithful translation of torch.nn.functional.gumbel_softmax(logits, tau=1.0, hard=True)
    noise_key = jax.random.key(42)
    u = jax.random.uniform(noise_key, logits.shape, dtype=logits.dtype,
                           minval=1e-10, maxval=1.0)
    gumbels = -jnp.log(-jnp.log(u))
    y_soft = jax.nn.softmax((logits + gumbels) / TEMPERATURE, axis=-1)
    # hard=True: straight-through one-hot
    idx = jnp.argmax(y_soft, axis=-1)
    y_hard = jax.nn.one_hot(idx, logits.shape[-1], dtype=logits.dtype)
    out = y_hard - jax.lax.stop_gradient(y_soft) + y_soft
    return out

if __name__ == "__main__":
    import jax
    _d = setup_inputs()
    print(jax.jit(kernel)(*tuple(_d.values())))

</pallas_src>

<mosaic_0001>
#map = affine_map<(d0, d1) -> (0)>
module attributes {stable_mosaic.version = 14 : i64} {
  func.func @new_body(%arg0: i32, %arg1: i32, %arg2: memref<64xi32, #tpu.memory_space<hbm>>, %arg3: memref<64000000xf32, #tpu.memory_space<hbm>>, %arg4: memref<64000000xf32, #tpu.memory_space<hbm>>, %arg5: memref<64xi32, #tpu.memory_space<vmem>>, %arg6: memref<64xf32, #tpu.memory_space<vmem>>, %arg7: memref<!tpu.dma_semaphore, #tpu.memory_space<semaphore_mem>>) attributes {dimension_semantics = [#tpu.dimension_semantics<core_parallel>, #tpu.dimension_semantics<subcore_parallel>], iteration_bounds = array<i64: 2, 16>, scalar_prefetch = 0 : i64, scratch_operands = 3 : i64, tpu.core_type = #tpu.core_type<sc_vector_subcore>, window_params = [{transform_indices = #map}, {transform_indices = #map}, {transform_indices = #map}]} {
    %eq3A = arith.constant 0 : i32
    %eq3A_0 = arith.cmpi eq, %arg0, %eq3A : i32
    %eq3A_1 = arith.constant 0 : i32
    %eq3A_2 = arith.cmpi eq, %arg1, %eq3A_1 : i32
    %and3A = arith.andi %eq3A_0, %eq3A_2 : i1
    %convert_element_type3A = arith.extui %and3A : i1 to i32
    %cond3A = arith.constant 0 : i32
    %cond3A_3 = arith.cmpi ne, %convert_element_type3A, %cond3A : i32
    scf.if %cond3A_3 {
      "tpu.region"() ({
        %run_scoped3A = tpu.sem_alloc : memref<!tpu.dma_semaphore, #tpu.memory_space<semaphore_mem>>
        tpu.enqueue_dma source(%arg2 : memref<64xi32, #tpu.memory_space<hbm>>) target(%arg5 : memref<64xi32, #tpu.memory_space<vmem>>) target_semaphore(%run_scoped3A : memref<!tpu.dma_semaphore, #tpu.memory_space<semaphore_mem>>)
        tpu.wait_dma2 semaphore(%run_scoped3A : memref<!tpu.dma_semaphore, #tpu.memory_space<semaphore_mem>>) src(%arg2 : memref<64xi32, #tpu.memory_space<hbm>>) dst(%arg5 : memref<64xi32, #tpu.memory_space<vmem>>)
        tpu.yield
      }) : () -> ()
      %broadcast_in_dim3A = arith.constant 1.000000e+00 : f32
      %broadcast_in_dim3A_4 = vector.broadcast %broadcast_in_dim3A : f32 to vector<16xf32>
      %swap3A = arith.constant 0 : index
      %swap3A_5 = tpu.vector_load %arg6[%swap3A] {strides = array<i32>} : memref<64xf32, #tpu.memory_space<vmem>>, vector<16xf32>,
      %swap3A_6 = vector.shape_cast %swap3A_5 : vector<16xf32> to vector<16xf32>
      %swap3A_7 = vector.shape_cast %broadcast_in_dim3A_4 : vector<16xf32> to vector<16xf32>
      tpu.vector_store %arg6[%swap3A], %swap3A_7 {strides = array<i32>} : memref<64xf32, #tpu.memory_space<vmem>>, vector<16xf32>,
      %broadcast_in_dim3A_8 = arith.constant 1.000000e+00 : f32
      %broadcast_in_dim3A_9 = vector.broadcast %broadcast_in_dim3A_8 : f32 to vector<16xf32>
      %swap3A_10 = arith.constant 16 : index
      %swap3A_11 = tpu.vector_load %arg6[%swap3A_10] {strides = array<i32>} : memref<64xf32, #tpu.memory_space<vmem>>, vector<16xf32>,
      %swap3A_12 = vector.shape_cast %swap3A_11 : vector<16xf32> to vector<16xf32>
      %swap3A_13 = vector.shape_cast %broadcast_in_dim3A_9 : vector<16xf32> to vector<16xf32>
      tpu.vector_store %arg6[%swap3A_10], %swap3A_13 {strides = array<i32>} : memref<64xf32, #tpu.memory_space<vmem>>, vector<16xf32>,
      %broadcast_in_dim3A_14 = arith.constant 1.000000e+00 : f32
      %broadcast_in_dim3A_15 = vector.broadcast %broadcast_in_dim3A_14 : f32 to vector<16xf32>
      %swap3A_16 = arith.constant 32 : index
      %swap3A_17 = tpu.vector_load %arg6[%swap3A_16] {strides = array<i32>} : memref<64xf32, #tpu.memory_space<vmem>>, vector<16xf32>,
      %swap3A_18 = vector.shape_cast %swap3A_17 : vector<16xf32> to vector<16xf32>
      %swap3A_19 = vector.shape_cast %broadcast_in_dim3A_15 : vector<16xf32> to vector<16xf32>
      tpu.vector_store %arg6[%swap3A_16], %swap3A_19 {strides = array<i32>} : memref<64xf32, #tpu.memory_space<vmem>>, vector<16xf32>,
      %broadcast_in_dim3A_20 = arith.constant 1.000000e+00 : f32
      %broadcast_in_dim3A_21 = vector.broadcast %broadcast_in_dim3A_20 : f32 to vector<16xf32>
      %swap3A_22 = arith.constant 48 : index
      %swap3A_23 = tpu.vector_load %arg6[%swap3A_22] {strides = array<i32>} : memref<64xf32, #tpu.memory_space<vmem>>, vector<16xf32>,
      %swap3A_24 = vector.shape_cast %swap3A_23 : vector<16xf32> to vector<16xf32>
      %swap3A_25 = vector.shape_cast %broadcast_in_dim3A_21 : vector<16xf32> to vector<16xf32>
      tpu.vector_store %arg6[%swap3A_22], %swap3A_25 {strides = array<i32>} : memref<64xf32, #tpu.memory_space<vmem>>, vector<16xf32>,
      %dma_start3A = arith.constant 0 : i32
      %dma_start3A_26 = tpu.memref_slice %arg3[%dma_start3A] : memref<64000000xf32, #tpu.memory_space<hbm>> -> memref<64000000xf32, #tpu.memory_space<hbm>>
      tpu.enqueue_indirect_dma source(%arg6 : memref<64xf32, #tpu.memory_space<vmem>>) target(%dma_start3A_26 : memref<64000000xf32, #tpu.memory_space<hbm>>) offsets(%arg5 : memref<64xi32, #tpu.memory_space<vmem>>) semaphore(%arg7 : memref<!tpu.dma_semaphore, #tpu.memory_space<semaphore_mem>>)
      %dma_wait3A = arith.constant 0 : i32
      %dma_wait3A_27 = tpu.memref_slice %arg3[%dma_wait3A] : memref<64000000xf32, #tpu.memory_space<hbm>> -> memref<64000000xf32, #tpu.memory_space<hbm>>
      tpu.wait_indirect_dma semaphore(%arg7 : memref<!tpu.dma_semaphore, #tpu.memory_space<semaphore_mem>>) src(%arg6 : memref<64xf32, #tpu.memory_space<vmem>>) dst(%dma_wait3A_27 : memref<64000000xf32, #tpu.memory_space<hbm>>)
    } else {
    }
    return
  }
}

module attributes {stable_mosaic.version = 14 : i64} {
  func.func @_locate_kernel(%arg0: i32, %arg1: memref<64xi32, #tpu.memory_space<smem>>, %arg2: memref<8x2048xf32, #tpu.memory_space<vmem>>, %arg3: memref<64x1xf32, #tpu.memory_space<smem>>, %arg4: memref<64x1xi32, #tpu.memory_space<smem>>) attributes {dimension_semantics = [#tpu.dimension_semantics<arbitrary>], iteration_bounds = array<i64: 64>, scalar_prefetch = 1 : i64, scratch_operands = 0 : i64, tpu.core_type = #tpu.core_type<tc>, window_params = [{transform_indices = @transform_0, window_bounds = array<i64: 8, 2048>}, {transform_indices = @transform_1, window_bounds = array<i64: 64, 1>}, {transform_indices = @transform_2, window_bounds = array<i64: 64, 1>}]} {
    %get3A = arith.index_cast %arg0 : i32 to index
    %get3A_0 = memref.load %arg1[%get3A] : memref<64xi32, #tpu.memory_space<smem>>
    %mul3A = arith.constant 2048 : i32
    %mul3A_1 = arith.muli %get3A_0, %mul3A : i32
    %iota3A = tpu.iota {dimensions = array<i32: 0>} : vector<8x2048xi32>
    %iota3A_2 = tpu.iota {dimensions = array<i32: 1>} : vector<8x2048xi32>
    %add3A = vector.broadcast %mul3A_1 : i32 to vector<8x2048xi32>
    %add3A_3 = arith.addi %iota3A_2, %add3A : vector<8x2048xi32>
    %jit3A = arith.constant 8 : i32
    %div3A = arith.divsi %arg0, %jit3A : i32
    %sign3A = arith.constant 0 : i32
    %sign3A_4 = arith.cmpi sgt, %arg0, %sign3A : i32
    %sign3A_5 = arith.extui %sign3A_4 : i1 to i32
    %sign3A_6 = arith.constant 0 : i32
    %sign3A_7 = arith.cmpi slt, %arg0, %sign3A_6 : i32
    %sign3A_8 = arith.extui %sign3A_7 : i1 to i32
    %sign3A_9 = arith.subi %sign3A_5, %sign3A_8 : i32
    %sign3A_10 = arith.constant 0 : i32
    %sign3A_11 = arith.cmpi sgt, %jit3A, %sign3A_10 : i32
    %sign3A_12 = arith.extui %sign3A_11 : i1 to i32
    %sign3A_13 = arith.constant 0 : i32
    %sign3A_14 = arith.cmpi slt, %jit3A, %sign3A_13 : i32
    %sign3A_15 = arith.extui %sign3A_14 : i1 to i32
    %sign3A_16 = arith.subi %sign3A_12, %sign3A_15 : i32
    %ne3A = arith.cmpi ne, %sign3A_9, %sign3A_16 : i32
    %rem3A = arith.remsi %arg0, %jit3A : i32
    %ne3A_17 = arith.constant 0 : i32
    %ne3A_18 = arith.cmpi ne, %rem3A, %ne3A_17 : i32
    %and3A = arith.andi %ne3A, %ne3A_18 : i1
    %sub3A = arith.constant 1 : i32
    %sub3A_19 = arith.subi %div3A, %sub3A : i32
    %select_n3A = arith.select %and3A, %sub3A_19, %div3A : i32
    %mul3A_20 = arith.constant 8 : i32
    %mul3A_21 = arith.muli %select_n3A, %mul3A_20 : i32
    %add3A_22 = vector.broadcast %mul3A_21 : i32 to vector<8x2048xi32>
    %add3A_23 = arith.addi %add3A_22, %iota3A : vector<8x2048xi32>
    %mul3A_24 = arith.constant 1000000 : i32
    %mul3A_25 = vector.broadcast %mul3A_24 : i32 to vector<8x2048xi32>
    %mul3A_26 = arith.muli %add3A_23, %mul3A_25 : vector<8x2048xi32>
    %add3A_27 = arith.addi %mul3A_26, %add3A_3 : vector<8x2048xi32>
    %get3A_28 = arith.constant 0 : index
    %get3A_29 = arith.constant 0 : index
    %get3A_30 = vector.load %arg2[%get3A_28, %get3A_29] : memref<8x2048xf32, #tpu.memory_space<vmem>>, vector<8x2048xf32>
    %add3A_31 = arith.constant 42 : i32
    %add3A_32 = vector.broadcast %add3A_31 : i32 to vector<8x2048xi32>
    %add3A_33 = arith.addi %add3A_27, %add3A_32 : vector<8x2048xi32>
    %shift_left3A = arith.constant 13 : i32
    %shift_left3A_34 = vector.broadcast %shift_left3A : i32 to vector<8x2048xi32>
    %shift_left3A_35 = arith.shli %add3A_33, %shift_left3A_34 : vector<8x2048xi32>
    %shift_right_logical3A = arith.constant 19 : i32
    %shift_right_logical3A_36 = vector.broadcast %shift_right_logical3A : i32 to vector<8x2048xi32>
    %shift_right_logical3A_37 = arith.shrui %add3A_33, %shift_right_logical3A_36 : vector<8x2048xi32>
    %or3A = arith.ori %shift_left3A_35, %shift_right_logical3A_37 : vector<8x2048xi32>
    %xor3A = arith.xori %or3A, %add3A_33 : vector<8x2048xi32>
    %add3A_38 = arith.addi %add3A_33, %xor3A : vector<8x2048xi32>
    %shift_left3A_39 = arith.constant 15 : i32
    %shift_left3A_40 = vector.broadcast %shift_left3A_39 : i32 to vector<8x2048xi32>
    %shift_left3A_41 = arith.shli %xor3A, %shift_left3A_40 : vector<8x2048xi32>
    %shift_right_logical3A_42 = arith.constant 17 : i32
    %shift_right_logical3A_43 = vector.broadcast %shift_right_logical3A_42 : i32 to vector<8x2048xi32>
    %shift_right_logical3A_44 = arith.shrui %xor3A, %shift_right_logical3A_43 : vector<8x2048xi32>
    %or3A_45 = arith.ori %shift_left3A_41, %shift_right_logical3A_44 : vector<8x2048xi32>
    %xor3A_46 = arith.xori %add3A_38, %or3A_45 : vector<8x2048xi32>
    %add3A_47 = arith.addi %add3A_38, %xor3A_46 : vector<8x2048xi32>
    %shift_left3A_48 = arith.constant 26 : i32
    %shift_left3A_49 = vector.broadcast %shift_left3A_48 : i32 to vector<8x2048xi32>
    %shift_left3A_50 = arith.shli %xor3A_46, %shift_left3A_49 : vector<8x2048xi32>
    %shift_right_logical3A_51 = arith.constant 6 : i32
    %shift_right_logical3A_52 = vector.broadcast %shift_right_logical3A_51 : i32 to vector<8x2048xi32>
    %shift_right_logical3A_53 = arith.shrui %xor3A_46, %shift_right_logical3A_52 : vector<8x2048xi32>
    %or3A_54 = arith.ori %shift_left3A_50, %shift_right_logical3A_53 : vector<8x2048xi32>
    %xor3A_55 = arith.xori %add3A_47, %or3A_54 : vector<8x2048xi32>
    %add3A_56 = arith.addi %add3A_47, %xor3A_55 : vector<8x2048xi32>
    %shift_left3A_57 = arith.constant 6 : i32
    %shift_left3A_58 = vector.broadcast %shift_left3A_57 : i32 to vector<8x2048xi32>
    %shift_left3A_59 = arith.shli %xor3A_55, %shift_left3A_58 : vector<8x2048xi32>
    %shift_right_logical3A_60 = arith.constant 26 : i32
    %shift_right_logical3A_61 = vector.broadcast %shift_right_logical3A_60 : i32 to vector<8x2048xi32>
    %shift_right_logical3A_62 = arith.shrui %xor3A_55, %shift_right_logical3A_61 : vector<8x2048xi32>
    %or3A_63 = arith.ori %shift_left3A_59, %shift_right_logical3A_62 : vector<8x2048xi32>
    %xor3A_64 = arith.xori %add3A_56, %or3A_63 : vector<8x2048xi32>
    %add3A_65 = arith.constant 42 : i32
    %add3A_66 = vector.broadcast %add3A_65 : i32 to vector<8x2048xi32>
    %add3A_67 = arith.addi %add3A_56, %add3A_66 : vector<8x2048xi32>
    %add3A_68 = arith.constant 466689009 : i32
    %add3A_69 = vector.broadcast %add3A_68 : i32 to vector<8x2048xi32>
    %add3A_70 = arith.addi %xor3A_64, %add3A_69 : vector<8x2048xi32>
    %add3A_71 = arith.addi %add3A_67, %add3A_70 : vector<8x2048xi32>
    %shift_left3A_72 = arith.constant 17 : i32
    %shift_left3A_73 = vector.broadcast %shift_left3A_72 : i32 to vector<8x2048xi32>
    %shift_left3A_74 = arith.shli %add3A_70, %shift_left3A_73 : vector<8x2048xi32>
    %shift_right_logical3A_75 = arith.constant 15 : i32
    %shift_right_logical3A_76 = vector.broadcast %shift_right_logical3A_75 : i32 to vector<8x2048xi32>
    %shift_right_logical3A_77 = arith.shrui %add3A_70, %shift_right_logical3A_76 : vector<8x2048xi32>
    %or3A_78 = arith.ori %shift_left3A_74, %shift_right_logical3A_77 : vector<8x2048xi32>
    %xor3A_79 = arith.xori %add3A_71, %or3A_78 : vector<8x2048xi32>
    %add3A_80 = arith.addi %add3A_71, %xor3A_79 : vector<8x2048xi32>
    %shift_left3A_81 = arith.constant 29 : i32
    %shift_left3A_82 = vector.broadcast %shift_left3A_81 : i32 to vector<8x2048xi32>
    %shift_left3A_83 = arith.shli %xor3A_79, %shift_left3A_82 : vector<8x2048xi32>
    %shift_right_logical3A_84 = arith.constant 3 : i32
    %shift_right_logical3A_85 = vector.broadcast %shift_right_logical3A_84 : i32 to vector<8x2048xi32>
    %shift_right_logical3A_86 = arith.shrui %xor3A_79, %shift_right_logical3A_85 : vector<8x2048xi32>
    %or3A_87 = arith.ori %shift_left3A_83, %shift_right_logical3A_86 : vector<8x2048xi32>
    %xor3A_88 = arith.xori %add3A_80, %or3A_87 : vector<8x2048xi32>
    %add3A_89 = arith.addi %add3A_80, %xor3A_88 : vector<8x2048xi32>
    %shift_left3A_90 = arith.constant 16 : i32
    %shift_left3A_91 = vector.broadcast %shift_left3A_90 : i32 to vector<8x2048xi32>
    %shift_left3A_92 = arith.shli %xor3A_88, %shift_left3A_91 : vector<8x2048xi32>
    %shift_right_logical3A_93 = arith.constant 16 : i32
    %shift_right_logical3A_94 = vector.broadcast %shift_right_logical3A_93 : i32 to vector<8x2048xi32>
    %shift_right_logical3A_95 = arith.shrui %xor3A_88, %shift_right_logical3A_94 : vector<8x2048xi32>
    %or3A_96 = arith.ori %shift_left3A_92, %shift_right_logical3A_95 : vector<8x2048xi32>
    %xor3A_97 = arith.xori %add3A_89, %or3A_96 : vector<8x2048xi32>
    %add3A_98 = arith.addi %add3A_89, %xor3A_97 : vector<8x2048xi32>
    %shift_left3A_99 = arith.constant 24 : i32
    %shift_left3A_100 = vector.broadcast %shift_left3A_99 : i32 to vector<8x2048xi32>
    %shift_left3A_101 = arith.shli %xor3A_97, %shift_left3A_100 : vector<8x2048xi32>
    %shift_right_logical3A_102 = arith.constant 8 : i32
    %shift_right_logical3A_103 = vector.broadcast %shift_right_logical3A_102 : i32 to vector<8x2048xi32>
    %shift_right_logical3A_104 = arith.shrui %xor3A_97, %shift_right_logical3A_103 : vector<8x2048xi32>
    %or3A_105 = arith.ori %shift_left3A_101, %shift_right_logical3A_104 : vector<8x2048xi32>
    %xor3A_106 = arith.xori %add3A_98, %or3A_105 : vector<8x2048xi32>
    %add3A_107 = arith.constant 466689008 : i32
    %add3A_108 = vector.broadcast %add3A_107 : i32 to vector<8x2048xi32>
    %add3A_109 = arith.addi %add3A_98, %add3A_108 : vector<8x2048xi32>
    %add3A_110 = arith.constant 2 : i32
    %add3A_111 = vector.broadcast %add3A_110 : i32 to vector<8x2048xi32>
    %add3A_112 = arith.addi %xor3A_106, %add3A_111 : vector<8x2048xi32>
    %add3A_113 = arith.addi %add3A_109, %add3A_112 : vector<8x2048xi32>
    %shift_left3A_114 = arith.constant 13 : i32
    %shift_left3A_115 = vector.broadcast %shift_left3A_114 : i32 to vector<8x2048xi32>
    %shift_left3A_116 = arith.shli %add3A_112, %shift_left3A_115 : vector<8x2048xi32>
    %shift_right_logical3A_117 = arith.constant 19 : i32
    %shift_right_logical3A_118 = vector.broadcast %shift_right_logical3A_117 : i32 to vector<8x2048xi32>
    %shift_right_logical3A_119 = arith.shrui %add3A_112, %shift_right_logical3A_118 : vector<8x2048xi32>
    %or3A_120 = arith.ori %shift_left3A_116, %shift_right_logical3A_119 : vector<8x2048xi32>
    %xor3A_121 = arith.xori %add3A_113, %or3A_120 : vector<8x2048xi32>
    %add3A_122 = arith.addi %add3A_113, %xor3A_121 : vector<8x2048xi32>
    %shift_left3A_123 = arith.constant 15 : i32
    %shift_left3A_124 = vector.broadcast %shift_left3A_123 : i32 to vector<8x2048xi32>
    %shift_left3A_125 = arith.shli %xor3A_121, %shift_left3A_124 : vector<8x2048xi32>
    %shift_right_logical3A_126 = arith.constant 17 : i32
    %shift_right_logical3A_127 = vector.broadcast %shift_right_logical3A_126 : i32 to vector<8x2048xi32>
    %shift_right_logical3A_128 = arith.shrui %xor3A_121, %shift_right_logical3A_127 : vector<8x2048xi32>
    %or3A_129 = arith.ori %shift_left3A_125, %shift_right_logical3A_128 : vector<8x2048xi32>
    %xor3A_130 = arith.xori %add3A_122, %or3A_129 : vector<8x2048xi32>
    %add3A_131 = arith.addi %add3A_122, %xor3A_130 : vector<8x2048xi32>
    %shift_left3A_132 = arith.constant 26 : i32
    %shift_left3A_133 = vector.broadcast %shift_left3A_132 : i32 to vector<8x2048xi32>
    %shift_left3A_134 = arith.shli %xor3A_130, %shift_left3A_133 : vector<8x2048xi32>
    %shift_right_logical3A_135 = arith.constant 6 : i32
    %shift_right_logical3A_136 = vector.broadcast %shift_right_logical3A_135 : i32 to vector<8x2048xi32>
    %shift_right_logical3A_137 = arith.shrui %xor3A_130, %shift_right_logical3A_136 : vector<8x2048xi32>
    %or3A_138 = arith.ori %shift_left3A_134, %shift_right_logical3A_137 : vector<8x2048xi32>
    %xor3A_139 = arith.xori %add3A_131, %or3A_138 : vector<8x2048xi32>
    %add3A_140 = arith.addi %add3A_131, %xor3A_139 : vector<8x2048xi32>
    %shift_left3A_141 = arith.constant 6 : i32
    %shift_left3A_142 = vector.broadcast %shift_left3A_141 : i32 to vector<8x2048xi32>
    %shift_left3A_143 = arith.shli %xor3A_139, %shift_left3A_142 : vector<8x2048xi32>
    %shift_right_logical3A_144 = arith.constant 26 : i32
    %shift_right_logical3A_145 = vector.broadcast %shift_right_logical3A_144 : i32 to vector<8x2048xi32>
    %shift_right_logical3A_146 = arith.shrui %xor3A_139, %shift_right_logical3A_145 : vector<8x2048xi32>
    %or3A_147 = arith.ori %shift_left3A_143, %shift_right_logical3A_146 : vector<8x2048xi32>
    %xor3A_148 = arith.xori %add3A_140, %or3A_147 : vector<8x2048xi32>
    %add3A_149 = arith.constant 0 : i32
    %add3A_150 = vector.broadcast %add3A_149 : i32 to vector<8x2048xi32>
    %add3A_151 = arith.addi %add3A_140, %add3A_150 : vector<8x2048xi32>
    %add3A_152 = arith.constant 45 : i32
    %add3A_153 = vector.broadcast %add3A_152 : i32 to vector<8x2048xi32>
    %add3A_154 = arith.addi %xor3A_148, %add3A_153 : vector<8x2048xi32>
    %add3A_155 = arith.addi %add3A_151, %add3A_154 : vector<8x2048xi32>
    %shift_left3A_156 = arith.constant 17 : i32
    %shift_left3A_157 = vector.broadcast %shift_left3A_156 : i32 to vector<8x2048xi32>
    %shift_left3A_158 = arith.shli %add3A_154, %shift_left3A_157 : vector<8x2048xi32>
    %shift_right_logical3A_159 = arith.constant 15 : i32
    %shift_right_logical3A_160 = vector.broadcast %shift_right_logical3A_159 : i32 to vector<8x2048xi32>
    %shift_right_logical3A_161 = arith.shrui %add3A_154, %shift_right_logical3A_160 : vector<8x2048xi32>
    %or3A_162 = arith.ori %shift_left3A_158, %shift_right_logical3A_161 : vector<8x2048xi32>
    %xor3A_163 = arith.xori %add3A_155, %or3A_162 : vector<8x2048xi32>
    %add3A_164 = arith.addi %add3A_155, %xor3A_163 : vector<8x2048xi32>
    %shift_left3A_165 = arith.constant 29 : i32
    %shift_left3A_166 = vector.broadcast %shift_left3A_165 : i32 to vector<8x2048xi32>
    %shift_left3A_167 = arith.shli %xor3A_163, %shift_left3A_166 : vector<8x2048xi32>
    %shift_right_logical3A_168 = arith.constant 3 : i32
    %shift_right_logical3A_169 = vector.broadcast %shift_right_logical3A_168 : i32 to vector<8x2048xi32>
    %shift_right_logical3A_170 = arith.shrui %xor3A_163, %shift_right_logical3A_169 : vector<8x2048xi32>
    %or3A_171 = arith.ori %shift_left3A_167, %shift_right_logical3A_170 : vector<8x2048xi32>
    %xor3A_172 = arith.xori %add3A_164, %or3A_171 : vector<8x2048xi32>
    %add3A_173 = arith.addi %add3A_164, %xor3A_172 : vector<8x2048xi32>
    %shift_left3A_174 = arith.constant 16 : i32
    %shift_left3A_175 = vector.broadcast %shift_left3A_174 : i32 to vector<8x2048xi32>
    %shift_left3A_176 = arith.shli %xor3A_172, %shift_left3A_175 : vector<8x2048xi32>
    %shift_right_logical3A_177 = arith.constant 16 : i32
    %shift_right_logical3A_178 = vector.broadcast %shift_right_logical3A_177 : i32 to vector<8x2048xi32>
    %shift_right_logical3A_179 = arith.shrui %xor3A_172, %shift_right_logical3A_178 : vector<8x2048xi32>
    %or3A_180 = arith.ori %shift_left3A_176, %shift_right_logical3A_179 : vector<8x2048xi32>
    %xor3A_181 = arith.xori %add3A_173, %or3A_180 : vector<8x2048xi32>
    %add3A_182 = arith.addi %add3A_173, %xor3A_181 : vector<8x2048xi32>
    %shift_left3A_183 = arith.constant 24 : i32
    %shift_left3A_184 = vector.broadcast %shift_left3A_183 : i32 to vector<8x2048xi32>
    %shift_left3A_185 = arith.shli %xor3A_181, %shift_left3A_184 : vector<8x2048xi32>
    %shift_right_logical3A_186 = arith.constant 8 : i32
    %shift_right_logical3A_187 = vector.broadcast %shift_right_logical3A_186 : i32 to vector<8x2048xi32>
    %shift_right_logical3A_188 = arith.shrui %xor3A_181, %shift_right_logical3A_187 : vector<8x2048xi32>
    %or3A_189 = arith.ori %shift_left3A_185, %shift_right_logical3A_188 : vector<8x2048xi32>
    %xor3A_190 = arith.xori %add3A_182, %or3A_189 : vector<8x2048xi32>
    %add3A_191 = arith.constant 42 : i32
    %add3A_192 = vector.broadcast %add3A_191 : i32 to vector<8x2048xi32>
    %add3A_193 = arith.addi %add3A_182, %add3A_192 : vector<8x2048xi32>
    %add3A_194 = arith.constant 466689012 : i32
    %add3A_195 = vector.broadcast %add3A_194 : i32 to vector<8x2048xi32>
    %add3A_196 = arith.addi %xor3A_190, %add3A_195 : vector<8x2048xi32>
    %add3A_197 = arith.addi %add3A_193, %add3A_196 : vector<8x2048xi32>
    %shift_left3A_198 = arith.constant 13 : i32
    %shift_left3A_199 = vector.broadcast %shift_left3A_198 : i32 to vector<8x2048xi32>
    %shift_left3A_200 = arith.shli %add3A_196, %shift_left3A_199 : vector<8x2048xi32>
    %shift_right_logical3A_201 = arith.constant 19 : i32
    %shift_right_logical3A_202 = vector.broadcast %shift_right_logical3A_201 : i32 to vector<8x2048xi32>
    %shift_right_logical3A_203 = arith.shrui %add3A_196, %shift_right_logical3A_202 : vector<8x2048xi32>
    %or3A_204 = arith.ori %shift_left3A_200, %shift_right_logical3A_203 : vector<8x2048xi32>
    %xor3A_205 = arith.xori %add3A_197, %or3A_204 : vector<8x2048xi32>
    %add3A_206 = arith.addi %add3A_197, %xor3A_205 : vector<8x2048xi32>
    %shift_left3A_207 = arith.constant 15 : i32
    %shift_left3A_208 = vector.broadcast %shift_left3A_207 : i32 to vector<8x2048xi32>
    %shift_left3A_209 = arith.shli %xor3A_205, %shift_left3A_208 : vector<8x2048xi32>
    %shift_right_logical3A_210 = arith.constant 17 : i32
    %shift_right_logical3A_211 = vector.broadcast %shift_right_logical3A_210 : i32 to vector<8x2048xi32>
    %shift_right_logical3A_212 = arith.shrui %xor3A_205, %shift_right_logical3A_211 : vector<8x2048xi32>
    %or3A_213 = arith.ori %shift_left3A_209, %shift_right_logical3A_212 : vector<8x2048xi32>
    %xor3A_214 = arith.xori %add3A_206, %or3A_213 : vector<8x2048xi32>
    %add3A_215 = arith.addi %add3A_206, %xor3A_214 : vector<8x2048xi32>
    %shift_left3A_216 = arith.constant 26 : i32
    %shift_left3A_217 = vector.broadcast %shift_left3A_216 : i32 to vector<8x2048xi32>
    %shift_left3A_218 = arith.shli %xor3A_214, %shift_left3A_217 : vector<8x2048xi32>
    %shift_right_logical3A_219 = arith.constant 6 : i32
    %shift_right_logical3A_220 = vector.broadcast %shift_right_logical3A_219 : i32 to vector<8x2048xi32>
    %shift_right_logical3A_221 = arith.shrui %xor3A_214, %shift_right_logical3A_220 : vector<8x2048xi32>
    %or3A_222 = arith.ori %shift_left3A_218, %shift_right_logical3A_221 : vector<8x2048xi32>
    %xor3A_223 = arith.xori %add3A_215, %or3A_222 : vector<8x2048xi32>
    %add3A_224 = arith.addi %add3A_215, %xor3A_223 : vector<8x2048xi32>
    %shift_left3A_225 = arith.constant 6 : i32
    %shift_left3A_226 = vector.broadcast %shift_left3A_225 : i32 to vector<8x2048xi32>
    %shift_left3A_227 = arith.shli %xor3A_223, %shift_left3A_226 : vector<8x2048xi32>
    %shift_right_logical3A_228 = arith.constant 26 : i32
    %shift_right_logical3A_229 = vector.broadcast %shift_right_logical3A_228 : i32 to vector<8x2048xi32>
    %shift_right_logical3A_230 = arith.shrui %xor3A_223, %shift_right_logical3A_229 : vector<8x2048xi32>
    %or3A_231 = arith.ori %shift_left3A_227, %shift_right_logical3A_230 : vector<8x2048xi32>
    %xor3A_232 = arith.xori %add3A_224, %or3A_231 : vector<8x2048xi32>
    %add3A_233 = arith.constant 466689008 : i32
    %add3A_234 = vector.broadcast %add3A_233 : i32 to vector<8x2048xi32>
    %add3A_235 = arith.addi %add3A_224, %add3A_234 : vector<8x2048xi32>
    %add3A_236 = arith.constant 5 : i32
    %add3A_237 = vector.broadcast %add3A_236 : i32 to vector<8x2048xi32>
    %add3A_238 = arith.addi %xor3A_232, %add3A_237 : vector<8x2048xi32>
    %xor3A_239 = arith.xori %add3A_235, %add3A_238 : vector<8x2048xi32>
    %shift_right_logical3A_240 = arith.constant 9 : i32
    %shift_right_logical3A_241 = vector.broadcast %shift_right_logical3A_240 : i32 to vector<8x2048xi32>
    %shift_right_logical3A_242 = arith.shrui %xor3A_239, %shift_right_logical3A_241 : vector<8x2048xi32>
    %or3A_243 = arith.constant 1065353216 : i32
    %or3A_244 = vector.broadcast %or3A_243 : i32 to vector<8x2048xi32>
    %or3A_245 = arith.ori %shift_right_logical3A_242, %or3A_244 : vector<8x2048xi32>
    %bitcast_convert_type3A = tpu.bitcast %or3A_245 : vector<8x2048xi32> -> vector<8x2048xf32>
    %sub3A_246 = arith.constant 1.000000e+00 : f32
    %sub3A_247 = vector.broadcast %sub3A_246 : f32 to vector<8x2048xf32>
    %sub3A_248 = arith.subf %bitcast_convert_type3A, %sub3A_247 : vector<8x2048xf32>
    %add3A_249 = arith.constant 1.000000e-10 : f32
    %add3A_250 = vector.broadcast %add3A_249 : f32 to vector<8x2048xf32>
    %add3A_251 = arith.addf %sub3A_248, %add3A_250 : vector<8x2048xf32>
    %log3A = math.log %add3A_251 : vector<8x2048xf32>
    %neg3A = arith.constant 0.000000e+00 : f32
    %neg3A_252 = vector.broadcast %neg3A : f32 to vector<8x2048xf32>
    %neg3A_253 = arith.subf %neg3A_252, %log3A : vector<8x2048xf32>
    %log3A_254 = math.log %neg3A_253 : vector<8x2048xf32>
    %neg3A_255 = arith.constant 0.000000e+00 : f32
    %neg3A_256 = vector.broadcast %neg3A_255 : f32 to vector<8x2048xf32>
    %neg3A_257 = arith.subf %neg3A_256, %log3A_254 : vector<8x2048xf32>
    %add3A_258 = arith.addf %get3A_30, %neg3A_257 : vector<8x2048xf32>
    %get3A_259 = arith.index_cast %arg0 : i32 to index
    %get3A_260 = arith.constant 0 : index
    %get3A_261 = memref.load %arg3[%get3A_259, %get3A_260] : memref<64x1xf32, #tpu.memory_space<smem>>
    %eq3A = vector.broadcast %get3A_261 : f32 to vector<8x2048xf32>
    %eq3A_262 = arith.cmpf oeq, %add3A_258, %eq3A : vector<8x2048xf32>
    %lt3A = arith.constant 1000000 : i32
    %lt3A_263 = vector.broadcast %lt3A : i32 to vector<8x2048xi32>
    %lt3A_264 = arith.cmpi slt, %add3A_3, %lt3A_263 : vector<8x2048xi32>
    %and3A_265 = arith.andi %eq3A_262, %lt3A_264 : vector<8x2048xi1>
    %jit3A_266 = arith.constant 8 : i32
    %eq3A_267 = arith.constant 0 : i32
    %eq3A_268 = arith.cmpi eq, %jit3A_266, %eq3A_267 : i32
    %jit3A_269 = arith.constant 1 : i32
    %select_n3A_270 = arith.select %eq3A_268, %jit3A_269, %jit3A_266 : i32
    %rem3A_271 = arith.remsi %arg0, %select_n3A_270 : i32
    %ne3A_272 = arith.constant 0 : i32
    %ne3A_273 = arith.cmpi ne, %rem3A_271, %ne3A_272 : i32
    %lt3A_274 = arith.constant 0 : i32
    %lt3A_275 = arith.cmpi slt, %rem3A_271, %lt3A_274 : i32
    %lt3A_276 = arith.constant 0 : i32
    %lt3A_277 = arith.cmpi slt, %select_n3A_270, %lt3A_276 : i32
    %ne3A_278 = arith.xori %lt3A_275, %lt3A_277 : i1
    %and3A_279 = arith.andi %ne3A_278, %ne3A_273 : i1
    %add3A_280 = arith.addi %rem3A_271, %select_n3A_270 : i32
    %select_n3A_281 = arith.select %and3A_279, %add3A_280, %rem3A_271 : i32
    %eq3A_282 = vector.broadcast %select_n3A_281 : i32 to vector<8x2048xi32>
    %eq3A_283 = arith.cmpi eq, %iota3A, %eq3A_282 : vector<8x2048xi32>
    %and3A_284 = arith.andi %and3A_265, %eq3A_283 : vector<8x2048xi1>
    %jit3A_285 = arith.constant 2147483647 : i32
    %broadcast_in_dim3A = vector.broadcast %jit3A_285 : i32 to vector<8x2048xi32>
    %select_n3A_286 = arith.select %and3A_284, %add3A_3, %broadcast_in_dim3A : vector<8x2048xi1>, vector<8x2048xi32>
    %reduce_min3A = vector.shape_cast %select_n3A_286 : vector<8x2048xi32> to vector<1x8x2048xi32>
    %reduce_min3A_287 = arith.constant dense<2147483647> : vector<1xi32>
    %reduce_min3A_288 = vector.multi_reduction <minsi>, %reduce_min3A, %reduce_min3A_287 [1, 2] : vector<1x8x2048xi32> to vector<1xi32>
    %reduce_min3A_289 = vector.shape_cast %reduce_min3A_288 : vector<1xi32> to vector<1x1x1xi32>
    %reduce_min3A_290 = vector.extract %reduce_min3A_289[0, 0, 0] : i32 from vector<1x1x1xi32>
    %mul3A_291 = arith.constant 1000000 : i32
    %mul3A_292 = arith.muli %arg0, %mul3A_291 : i32
    %add3A_293 = arith.addi %reduce_min3A_290, %mul3A_292 : i32
    %swap3A = arith.index_cast %arg0 : i32 to index
    %swap3A_294 = arith.constant 0 : index
    %swap3A_295 = memref.load %arg4[%swap3A, %swap3A_294] : memref<64x1xi32, #tpu.memory_space<smem>>
    memref.store %add3A_293, %arg4[%swap3A, %swap3A_294] : memref<64x1xi32, #tpu.memory_space<smem>>
    return
  }
  func.func @transform_0(%arg0: i32, %arg1: memref<64xi32, #tpu.memory_space<smem>>) -> (i32, i32) {
    %jit3A = arith.constant 8 : i32
    %div3A = arith.divsi %arg0, %jit3A : i32
    %sign3A = arith.constant 0 : i32
    %sign3A_0 = arith.cmpi sgt, %arg0, %sign3A : i32
    %sign3A_1 = arith.extui %sign3A_0 : i1 to i32
    %sign3A_2 = arith.constant 0 : i32
    %sign3A_3 = arith.cmpi slt, %arg0, %sign3A_2 : i32
    %sign3A_4 = arith.extui %sign3A_3 : i1 to i32
    %sign3A_5 = arith.subi %sign3A_1, %sign3A_4 : i32
    %sign3A_6 = arith.constant 0 : i32
    %sign3A_7 = arith.cmpi sgt, %jit3A, %sign3A_6 : i32
    %sign3A_8 = arith.extui %sign3A_7 : i1 to i32
    %sign3A_9 = arith.constant 0 : i32
    %sign3A_10 = arith.cmpi slt, %jit3A, %sign3A_9 : i32
    %sign3A_11 = arith.extui %sign3A_10 : i1 to i32
    %sign3A_12 = arith.subi %sign3A_8, %sign3A_11 : i32
    %ne3A = arith.cmpi ne, %sign3A_5, %sign3A_12 : i32
    %rem3A = arith.remsi %arg0, %jit3A : i32
    %ne3A_13 = arith.constant 0 : i32
    %ne3A_14 = arith.cmpi ne, %rem3A, %ne3A_13 : i32
    %and3A = arith.andi %ne3A, %ne3A_14 : i1
    %sub3A = arith.constant 1 : i32
    %sub3A_15 = arith.subi %div3A, %sub3A : i32
    %select_n3A = arith.select %and3A, %sub3A_15, %div3A : i32
    %get3A = arith.index_cast %arg0 : i32 to index
    %get3A_16 = memref.load %arg1[%get3A] : memref<64xi32, #tpu.memory_space<smem>>
    %c0_i32 = arith.constant 0 : i32
    return %select_n3A, %get3A_16 : i32, i32
  }
  func.func @transform_1(%arg0: i32, %arg1: memref<64xi32, #tpu.memory_space<smem>>) -> (i32, i32) {
    %c0_i32 = arith.constant 0 : i32
    %c0_i32_0 = arith.constant 0 : i32
    %c0_i32_1 = arith.constant 0 : i32
    return %c0_i32, %c0_i32_0 : i32, i32
  }
  func.func @transform_2(%arg0: i32, %arg1: memref<64xi32, #tpu.memory_space<smem>>) -> (i32, i32) {
    %c0_i32 = arith.constant 0 : i32
    %c0_i32_0 = arith.constant 0 : i32
    %c0_i32_1 = arith.constant 0 : i32
    return %c0_i32, %c0_i32_0 : i32, i32
  }
}

module attributes {stable_mosaic.version = 14 : i64} {
  func.func @_scan_kernel(%arg0: i32, %arg1: i32, %arg2: memref<8x131072xf32, #tpu.memory_space<vmem>>, %arg3: memref<8x1xf32, #tpu.memory_space<vmem>>, %arg4: memref<8x1xi32, #tpu.memory_space<vmem>>, %arg5: memref<8x131072xf32, #tpu.memory_space<vmem>>, %arg6: memref<8x128xf32, #tpu.memory_space<vmem>>, %arg7: memref<8x128xi32, #tpu.memory_space<vmem>>) attributes {dimension_semantics = [#tpu.dimension_semantics<arbitrary>, #tpu.dimension_semantics<arbitrary>], iteration_bounds = array<i64: 8, 8>, scalar_prefetch = 0 : i64, scratch_operands = 2 : i64, tpu.core_type = #tpu.core_type<tc>, window_params = [{transform_indices = @transform_0, window_bounds = array<i64: 8, 131072>}, {transform_indices = @transform_1, window_bounds = array<i64: 8, 1>}, {transform_indices = @transform_2, window_bounds = array<i64: 8, 1>}, {transform_indices = @transform_3, window_bounds = array<i64: 8, 131072>}]} {
    %broadcast_in_dim3A = arith.constant 0.000000e+00 : f32
    %broadcast_in_dim3A_0 = vector.broadcast %broadcast_in_dim3A : f32 to vector<8x131072xf32>
    %swap3A = arith.constant 0 : index
    %swap3A_1 = arith.constant 0 : index
    %swap3A_2 = vector.load %arg5[%swap3A, %swap3A_1] : memref<8x131072xf32, #tpu.memory_space<vmem>>, vector<8x131072xf32>
    tpu.vector_store %arg5[%swap3A, %swap3A_1], %broadcast_in_dim3A_0 {strides = array<i32>} : memref<8x131072xf32, #tpu.memory_space<vmem>>, vector<8x131072xf32>,
    %iota3A = tpu.iota {dimensions = array<i32: 1>} : vector<8x2048xi32>
    %iota3A_3 = tpu.iota {dimensions = array<i32: 0>} : vector<8x2048xi32>
    %mul3A = arith.constant 8 : i32
    %mul3A_4 = arith.muli %arg0, %mul3A : i32
    %add3A = vector.broadcast %mul3A_4 : i32 to vector<8x2048xi32>
    %add3A_5 = arith.addi %iota3A_3, %add3A : vector<8x2048xi32>
    %mul3A_6 = arith.constant 1000000 : i32
    %mul3A_7 = vector.broadcast %mul3A_6 : i32 to vector<8x2048xi32>
    %mul3A_8 = arith.muli %add3A_5, %mul3A_7 : vector<8x2048xi32>
    %add3A_9 = arith.addi %mul3A_8, %iota3A : vector<8x2048xi32>
    %eq3A = arith.constant 0 : i32
    %eq3A_10 = arith.cmpi eq, %arg1, %eq3A : i32
    %convert_element_type3A = arith.extui %eq3A_10 : i1 to i32
    %cond3A = arith.constant 0 : i32
    %cond3A_11 = arith.cmpi ne, %convert_element_type3A, %cond3A : i32
    scf.if %cond3A_11 {
      %broadcast_in_dim3A_21 = arith.constant 0xFF800000 : f32
      %broadcast_in_dim3A_22 = vector.broadcast %broadcast_in_dim3A_21 : f32 to vector<8x128xf32>
      %swap3A_23 = arith.constant 0 : index
      %swap3A_24 = arith.constant 0 : index
      %swap3A_25 = vector.load %arg6[%swap3A_23, %swap3A_24] : memref<8x128xf32, #tpu.memory_space<vmem>>, vector<8x128xf32>
      tpu.vector_store %arg6[%swap3A_23, %swap3A_24], %broadcast_in_dim3A_22 {strides = array<i32>} : memref<8x128xf32, #tpu.memory_space<vmem>>, vector<8x128xf32>,
      %broadcast_in_dim3A_26 = arith.constant 0 : i32
      %broadcast_in_dim3A_27 = vector.broadcast %broadcast_in_dim3A_26 : i32 to vector<8x128xi32>
      %swap3A_28 = arith.constant 0 : index
      %swap3A_29 = arith.constant 0 : index
      %swap3A_30 = vector.load %arg7[%swap3A_28, %swap3A_29] : memref<8x128xi32, #tpu.memory_space<vmem>>, vector<8x128xi32>
      tpu.vector_store %arg7[%swap3A_28, %swap3A_29], %broadcast_in_dim3A_27 {strides = array<i32>} : memref<8x128xi32, #tpu.memory_space<vmem>>, vector<8x128xi32>,
    } else {
    }
    %lt3A = arith.constant 7 : i32
    %lt3A_12 = arith.cmpi slt, %arg1, %lt3A : i32
    %convert_element_type3A_13 = arith.extui %lt3A_12 : i1 to i32
    %cond3A_14 = arith.constant 0 : i32
    %cond3A_15 = arith.cmpi ne, %convert_element_type3A_13, %cond3A_14 : i32
    scf.if %cond3A_15 {
      %get3A = arith.constant 0 : index
      %get3A_21 = arith.constant 0 : index
      %get3A_22 = vector.load %arg6[%get3A, %get3A_21] : memref<8x128xf32, #tpu.memory_space<vmem>>, vector<8x128xf32>
      %get3A_23 = arith.constant 0 : index
      %get3A_24 = arith.constant 0 : index
      %get3A_25 = vector.load %arg7[%get3A_23, %get3A_24] : memref<8x128xi32, #tpu.memory_space<vmem>>, vector<8x128xi32>
      %scan3A = arith.constant 0 : i32
      %scan3A_26 = arith.constant 64 : i32
      %scan3A_27 = arith.addi %scan3A, %scan3A_26 : i32
      %scan3A_28 = arith.constant 1 : i32
      %scan3A_29:2 = scf.for %scan3A_37 = %scan3A to %scan3A_27 step %scan3A_28 iter_args(%scan3A_38 = %get3A_22, %scan3A_39 = %get3A_25) -> (vector<8x128xf32>, vector<8x128xi32>)  : i32 {
        %mul3A_40 = arith.constant 131072 : i32
        %mul3A_41 = arith.muli %arg1, %mul3A_40 : i32
        %mul3A_42 = arith.constant 2048 : i32
        %mul3A_43 = arith.muli %scan3A_37, %mul3A_42 : i32
        %add3A_44 = arith.addi %mul3A_41, %mul3A_43 : i32
        %add3A_45 = vector.broadcast %add3A_44 : i32 to vector<8x2048xi32>
        %add3A_46 = arith.addi %add3A_9, %add3A_45 : vector<8x2048xi32>
        %mul3A_47 = arith.constant 2048 : i32
        %mul3A_48 = arith.muli %scan3A_37, %mul3A_47 : i32
        %get3A_49 = arith.constant 0 : index
        %get3A_50 = arith.index_cast %mul3A_48 : i32 to index
        %get3A_51 = vector.load %arg2[%get3A_49, %get3A_50] : memref<8x131072xf32, #tpu.memory_space<vmem>>, vector<8x2048xf32>
        %add3A_52 = arith.constant 42 : i32
        %add3A_53 = vector.broadcast %add3A_52 : i32 to vector<8x2048xi32>
        %add3A_54 = arith.addi %add3A_46, %add3A_53 : vector<8x2048xi32>
        %shift_left3A = arith.constant 13 : i32
        %shift_left3A_55 = vector.broadcast %shift_left3A : i32 to vector<8x2048xi32>
        %shift_left3A_56 = arith.shli %add3A_54, %shift_left3A_55 : vector<8x2048xi32>
        %shift_right_logical3A = arith.constant 19 : i32
        %shift_right_logical3A_57 = vector.broadcast %shift_right_logical3A : i32 to vector<8x2048xi32>
        %shift_right_logical3A_58 = arith.shrui %add3A_54, %shift_right_logical3A_57 : vector<8x2048xi32>
        %or3A = arith.ori %shift_left3A_56, %shift_right_logical3A_58 : vector<8x2048xi32>
        %xor3A = arith.xori %or3A, %add3A_54 : vector<8x2048xi32>
        %add3A_59 = arith.addi %add3A_54, %xor3A : vector<8x2048xi32>
        %shift_left3A_60 = arith.constant 15 : i32
        %shift_left3A_61 = vector.broadcast %shift_left3A_60 : i32 to vector<8x2048xi32>
        %shift_left3A_62 = arith.shli %xor3A, %shift_left3A_61 : vector<8x2048xi32>
        %shift_right_logical3A_63 = arith.constant 17 : i32
        %shift_right_logical3A_64 = vector.broadcast %shift_right_logical3A_63 : i32 to vector<8x2048xi32>
        %shift_right_logical3A_65 = arith.shrui %xor3A, %shift_right_logical3A_64 : vector<8x2048xi32>
        %or3A_66 = arith.ori %shift_left3A_62, %shift_right_logical3A_65 : vector<8x2048xi32>
        %xor3A_67 = arith.xori %add3A_59, %or3A_66 : vector<8x2048xi32>
        %add3A_68 = arith.addi %add3A_59, %xor3A_67 : vector<8x2048xi32>
        %shift_left3A_69 = arith.constant 26 : i32
        %shift_left3A_70 = vector.broadcast %shift_left3A_69 : i32 to vector<8x2048xi32>
        %shift_left3A_71 = arith.shli %xor3A_67, %shift_left3A_70 : vector<8x2048xi32>
        %shift_right_logical3A_72 = arith.constant 6 : i32
        %shift_right_logical3A_73 = vector.broadcast %shift_right_logical3A_72 : i32 to vector<8x2048xi32>
        %shift_right_logical3A_74 = arith.shrui %xor3A_67, %shift_right_logical3A_73 : vector<8x2048xi32>
        %or3A_75 = arith.ori %shift_left3A_71, %shift_right_logical3A_74 : vector<8x2048xi32>
        %xor3A_76 = arith.xori %add3A_68, %or3A_75 : vector<8x2048xi32>
        %add3A_77 = arith.addi %add3A_68, %xor3A_76 : vector<8x2048xi32>
        %shift_left3A_78 = arith.constant 6 : i32
        %shift_left3A_79 = vector.broadcast %shift_left3A_78 : i32 to vector<8x2048xi32>
        %shift_left3A_80 = arith.shli %xor3A_76, %shift_left3A_79 : vector<8x2048xi32>
        %shift_right_logical3A_81 = arith.constant 26 : i32
        %shift_right_logical3A_82 = vector.broadcast %shift_right_logical3A_81 : i32 to vector<8x2048xi32>
        %shift_right_logical3A_83 = arith.shrui %xor3A_76, %shift_right_logical3A_82 : vector<8x2048xi32>
        %or3A_84 = arith.ori %shift_left3A_80, %shift_right_logical3A_83 : vector<8x2048xi32>
        %xor3A_85 = arith.xori %add3A_77, %or3A_84 : vector<8x2048xi32>
        %add3A_86 = arith.constant 42 : i32
        %add3A_87 = vector.broadcast %add3A_86 : i32 to vector<8x2048xi32>
        %add3A_88 = arith.addi %add3A_77, %add3A_87 : vector<8x2048xi32>
        %add3A_89 = arith.constant 466689009 : i32
        %add3A_90 = vector.broadcast %add3A_89 : i32 to vector<8x2048xi32>
        %add3A_91 = arith.addi %xor3A_85, %add3A_90 : vector<8x2048xi32>
        %add3A_92 = arith.addi %add3A_88, %add3A_91 : vector<8x2048xi32>
        %shift_left3A_93 = arith.constant 17 : i32
        %shift_left3A_94 = vector.broadcast %shift_left3A_93 : i32 to vector<8x2048xi32>
        %shift_left3A_95 = arith.shli %add3A_91, %shift_left3A_94 : vector<8x2048xi32>
        %shift_right_logical3A_96 = arith.constant 15 : i32
        %shift_right_logical3A_97 = vector.broadcast %shift_right_logical3A_96 : i32 to vector<8x2048xi32>
        %shift_right_logical3A_98 = arith.shrui %add3A_91, %shift_right_logical3A_97 : vector<8x2048xi32>
        %or3A_99 = arith.ori %shift_left3A_95, %shift_right_logical3A_98 : vector<8x2048xi32>
        %xor3A_100 = arith.xori %add3A_92, %or3A_99 : vector<8x2048xi32>
        %add3A_101 = arith.addi %add3A_92, %xor3A_100 : vector<8x2048xi32>
        %shift_left3A_102 = arith.constant 29 : i32
        %shift_left3A_103 = vector.broadcast %shift_left3A_102 : i32 to vector<8x2048xi32>
        %shift_left3A_104 = arith.shli %xor3A_100, %shift_left3A_103 : vector<8x2048xi32>
        %shift_right_logical3A_105 = arith.constant 3 : i32
        %shift_right_logical3A_106 = vector.broadcast %shift_right_logical3A_105 : i32 to vector<8x2048xi32>
        %shift_right_logical3A_107 = arith.shrui %xor3A_100, %shift_right_logical3A_106 : vector<8x2048xi32>
        %or3A_108 = arith.ori %shift_left3A_104, %shift_right_logical3A_107 : vector<8x2048xi32>
        %xor3A_109 = arith.xori %add3A_101, %or3A_108 : vector<8x2048xi32>
        %add3A_110 = arith.addi %add3A_101, %xor3A_109 : vector<8x2048xi32>
        %shift_left3A_111 = arith.constant 16 : i32
        %shift_left3A_112 = vector.broadcast %shift_left3A_111 : i32 to vector<8x2048xi32>
        %shift_left3A_113 = arith.shli %xor3A_109, %shift_left3A_112 : vector<8x2048xi32>
        %shift_right_logical3A_114 = arith.constant 16 : i32
        %shift_right_logical3A_115 = vector.broadcast %shift_right_logical3A_114 : i32 to vector<8x2048xi32>
        %shift_right_logical3A_116 = arith.shrui %xor3A_109, %shift_right_logical3A_115 : vector<8x2048xi32>
        %or3A_117 = arith.ori %shift_left3A_113, %shift_right_logical3A_116 : vector<8x2048xi32>
        %xor3A_118 = arith.xori %add3A_110, %or3A_117 : vector<8x2048xi32>
        %add3A_119 = arith.addi %add3A_110, %xor3A_118 : vector<8x2048xi32>
        %shift_left3A_120 = arith.constant 24 : i32
        %shift_left3A_121 = vector.broadcast %shift_left3A_120 : i32 to vector<8x2048xi32>
        %shift_left3A_122 = arith.shli %xor3A_118, %shift_left3A_121 : vector<8x2048xi32>
        %shift_right_logical3A_123 = arith.constant 8 : i32
        %shift_right_logical3A_124 = vector.broadcast %shift_right_logical3A_123 : i32 to vector<8x2048xi32>
        %shift_right_logical3A_125 = arith.shrui %xor3A_118, %shift_right_logical3A_124 : vector<8x2048xi32>
        %or3A_126 = arith.ori %shift_left3A_122, %shift_right_logical3A_125 : vector<8x2048xi32>
        %xor3A_127 = arith.xori %add3A_119, %or3A_126 : vector<8x2048xi32>
        %add3A_128 = arith.constant 466689008 : i32
        %add3A_129 = vector.broadcast %add3A_128 : i32 to vector<8x2048xi32>
        %add3A_130 = arith.addi %add3A_119, %add3A_129 : vector<8x2048xi32>
        %add3A_131 = arith.constant 2 : i32
        %add3A_132 = vector.broadcast %add3A_131 : i32 to vector<8x2048xi32>
        %add3A_133 = arith.addi %xor3A_127, %add3A_132 : vector<8x2048xi32>
        %add3A_134 = arith.addi %add3A_130, %add3A_133 : vector<8x2048xi32>
        %shift_left3A_135 = arith.constant 13 : i32
        %shift_left3A_136 = vector.broadcast %shift_left3A_135 : i32 to vector<8x2048xi32>
        %shift_left3A_137 = arith.shli %add3A_133, %shift_left3A_136 : vector<8x2048xi32>
        %shift_right_logical3A_138 = arith.constant 19 : i32
        %shift_right_logical3A_139 = vector.broadcast %shift_right_logical3A_138 : i32 to vector<8x2048xi32>
        %shift_right_logical3A_140 = arith.shrui %add3A_133, %shift_right_logical3A_139 : vector<8x2048xi32>
        %or3A_141 = arith.ori %shift_left3A_137, %shift_right_logical3A_140 : vector<8x2048xi32>
        %xor3A_142 = arith.xori %add3A_134, %or3A_141 : vector<8x2048xi32>
        %add3A_143 = arith.addi %add3A_134, %xor3A_142 : vector<8x2048xi32>
        %shift_left3A_144 = arith.constant 15 : i32
        %shift_left3A_145 = vector.broadcast %shift_left3A_144 : i32 to vector<8x2048xi32>
        %shift_left3A_146 = arith.shli %xor3A_142, %shift_left3A_145 : vector<8x2048xi32>
        %shift_right_logical3A_147 = arith.constant 17 : i32
        %shift_right_logical3A_148 = vector.broadcast %shift_right_logical3A_147 : i32 to vector<8x2048xi32>
        %shift_right_logical3A_149 = arith.shrui %xor3A_142, %shift_right_logical3A_148 : vector<8x2048xi32>
        %or3A_150 = arith.ori %shift_left3A_146, %shift_right_logical3A_149 : vector<8x2048xi32>
        %xor3A_151 = arith.xori %add3A_143, %or3A_150 : vector<8x2048xi32>
        %add3A_152 = arith.addi %add3A_143, %xor3A_151 : vector<8x2048xi32>
        %shift_left3A_153 = arith.constant 26 : i32
        %shift_left3A_154 = vector.broadcast %shift_left3A_153 : i32 to vector<8x2048xi32>
        %shift_left3A_155 = arith.shli %xor3A_151, %shift_left3A_154 : vector<8x2048xi32>
        %shift_right_logical3A_156 = arith.constant 6 : i32
        %shift_right_logical3A_157 = vector.broadcast %shift_right_logical3A_156 : i32 to vector<8x2048xi32>
        %shift_right_logical3A_158 = arith.shrui %xor3A_151, %shift_right_logical3A_157 : vector<8x2048xi32>
        %or3A_159 = arith.ori %shift_left3A_155, %shift_right_logical3A_158 : vector<8x2048xi32>
        %xor3A_160 = arith.xori %add3A_152, %or3A_159 : vector<8x2048xi32>
        %add3A_161 = arith.addi %add3A_152, %xor3A_160 : vector<8x2048xi32>
        %shift_left3A_162 = arith.constant 6 : i32
        %shift_left3A_163 = vector.broadcast %shift_left3A_162 : i32 to vector<8x2048xi32>
        %shift_left3A_164 = arith.shli %xor3A_160, %shift_left3A_163 : vector<8x2048xi32>
        %shift_right_logical3A_165 = arith.constant 26 : i32
        %shift_right_logical3A_166 = vector.broadcast %shift_right_logical3A_165 : i32 to vector<8x2048xi32>
        %shift_right_logical3A_167 = arith.shrui %xor3A_160, %shift_right_logical3A_166 : vector<8x2048xi32>
        %or3A_168 = arith.ori %shift_left3A_164, %shift_right_logical3A_167 : vector<8x2048xi32>
        %xor3A_169 = arith.xori %add3A_161, %or3A_168 : vector<8x2048xi32>
        %add3A_170 = arith.constant 0 : i32
        %add3A_171 = vector.broadcast %add3A_170 : i32 to vector<8x2048xi32>
        %add3A_172 = arith.addi %add3A_161, %add3A_171 : vector<8x2048xi32>
        %add3A_173 = arith.constant 45 : i32
        %add3A_174 = vector.broadcast %add3A_173 : i32 to vector<8x2048xi32>
        %add3A_175 = arith.addi %xor3A_169, %add3A_174 : vector<8x2048xi32>
        %add3A_176 = arith.addi %add3A_172, %add3A_175 : vector<8x2048xi32>
        %shift_left3A_177 = arith.constant 17 : i32
        %shift_left3A_178 = vector.broadcast %shift_left3A_177 : i32 to vector<8x2048xi32>
        %shift_left3A_179 = arith.shli %add3A_175, %shift_left3A_178 : vector<8x2048xi32>
        %shift_right_logical3A_180 = arith.constant 15 : i32
        %shift_right_logical3A_181 = vector.broadcast %shift_right_logical3A_180 : i32 to vector<8x2048xi32>
        %shift_right_logical3A_182 = arith.shrui %add3A_175, %shift_right_logical3A_181 : vector<8x2048xi32>
        %or3A_183 = arith.ori %shift_left3A_179, %shift_right_logical3A_182 : vector<8x2048xi32>
        %xor3A_184 = arith.xori %add3A_176, %or3A_183 : vector<8x2048xi32>
        %add3A_185 = arith.addi %add3A_176, %xor3A_184 : vector<8x2048xi32>
        %shift_left3A_186 = arith.constant 29 : i32
        %shift_left3A_187 = vector.broadcast %shift_left3A_186 : i32 to vector<8x2048xi32>
        %shift_left3A_188 = arith.shli %xor3A_184, %shift_left3A_187 : vector<8x2048xi32>
        %shift_right_logical3A_189 = arith.constant 3 : i32
        %shift_right_logical3A_190 = vector.broadcast %shift_right_logical3A_189 : i32 to vector<8x2048xi32>
        %shift_right_logical3A_191 = arith.shrui %xor3A_184, %shift_right_logical3A_190 : vector<8x2048xi32>
        %or3A_192 = arith.ori %shift_left3A_188, %shift_right_logical3A_191 : vector<8x2048xi32>
        %xor3A_193 = arith.xori %add3A_185, %or3A_192 : vector<8x2048xi32>
        %add3A_194 = arith.addi %add3A_185, %xor3A_193 : vector<8x2048xi32>
        %shift_left3A_195 = arith.constant 16 : i32
        %shift_left3A_196 = vector.broadcast %shift_left3A_195 : i32 to vector<8x2048xi32>
        %shift_left3A_197 = arith.shli %xor3A_193, %shift_left3A_196 : vector<8x2048xi32>
        %shift_right_logical3A_198 = arith.constant 16 : i32
        %shift_right_logical3A_199 = vector.broadcast %shift_right_logical3A_198 : i32 to vector<8x2048xi32>
        %shift_right_logical3A_200 = arith.shrui %xor3A_193, %shift_right_logical3A_199 : vector<8x2048xi32>
        %or3A_201 = arith.ori %shift_left3A_197, %shift_right_logical3A_200 : vector<8x2048xi32>
        %xor3A_202 = arith.xori %add3A_194, %or3A_201 : vector<8x2048xi32>
        %add3A_203 = arith.addi %add3A_194, %xor3A_202 : vector<8x2048xi32>
        %shift_left3A_204 = arith.constant 24 : i32
        %shift_left3A_205 = vector.broadcast %shift_left3A_204 : i32 to vector<8x2048xi32>
        %shift_left3A_206 = arith.shli %xor3A_202, %shift_left3A_205 : vector<8x2048xi32>
        %shift_right_logical3A_207 = arith.constant 8 : i32
        %shift_right_logical3A_208 = vector.broadcast %shift_right_logical3A_207 : i32 to vector<8x2048xi32>
        %shift_right_logical3A_209 = arith.shrui %xor3A_202, %shift_right_logical3A_208 : vector<8x2048xi32>
        %or3A_210 = arith.ori %shift_left3A_206, %shift_right_logical3A_209 : vector<8x2048xi32>
        %xor3A_211 = arith.xori %add3A_203, %or3A_210 : vector<8x2048xi32>
        %add3A_212 = arith.constant 42 : i32
        %add3A_213 = vector.broadcast %add3A_212 : i32 to vector<8x2048xi32>
        %add3A_214 = arith.addi %add3A_203, %add3A_213 : vector<8x2048xi32>
        %add3A_215 = arith.constant 466689012 : i32
        %add3A_216 = vector.broadcast %add3A_215 : i32 to vector<8x2048xi32>
        %add3A_217 = arith.addi %xor3A_211, %add3A_216 : vector<8x2048xi32>
        %add3A_218 = arith.addi %add3A_214, %add3A_217 : vector<8x2048xi32>
        %shift_left3A_219 = arith.constant 13 : i32
        %shift_left3A_220 = vector.broadcast %shift_left3A_219 : i32 to vector<8x2048xi32>
        %shift_left3A_221 = arith.shli %add3A_217, %shift_left3A_220 : vector<8x2048xi32>
        %shift_right_logical3A_222 = arith.constant 19 : i32
        %shift_right_logical3A_223 = vector.broadcast %shift_right_logical3A_222 : i32 to vector<8x2048xi32>
        %shift_right_logical3A_224 = arith.shrui %add3A_217, %shift_right_logical3A_223 : vector<8x2048xi32>
        %or3A_225 = arith.ori %shift_left3A_221, %shift_right_logical3A_224 : vector<8x2048xi32>
        %xor3A_226 = arith.xori %add3A_218, %or3A_225 : vector<8x2048xi32>
        %add3A_227 = arith.addi %add3A_218, %xor3A_226 : vector<8x2048xi32>
        %shift_left3A_228 = arith.constant 15 : i32
        %shift_left3A_229 = vector.broadcast %shift_left3A_228 : i32 to vector<8x2048xi32>
        %shift_left3A_230 = arith.shli %xor3A_226, %shift_left3A_229 : vector<8x2048xi32>
        %shift_right_logical3A_231 = arith.constant 17 : i32
        %shift_right_logical3A_232 = vector.broadcast %shift_right_logical3A_231 : i32 to vector<8x2048xi32>
        %shift_right_logical3A_233 = arith.shrui %xor3A_226, %shift_right_logical3A_232 : vector<8x2048xi32>
        %or3A_234 = arith.ori %shift_left3A_230, %shift_right_logical3A_233 : vector<8x2048xi32>
        %xor3A_235 = arith.xori %add3A_227, %or3A_234 : vector<8x2048xi32>
        %add3A_236 = arith.addi %add3A_227, %xor3A_235 : vector<8x2048xi32>
        %shift_left3A_237 = arith.constant 26 : i32
        %shift_left3A_238 = vector.broadcast %shift_left3A_237 : i32 to vector<8x2048xi32>
        %shift_left3A_239 = arith.shli %xor3A_235, %shift_left3A_238 : vector<8x2048xi32>
        %shift_right_logical3A_240 = arith.constant 6 : i32
        %shift_right_logical3A_241 = vector.broadcast %shift_right_logical3A_240 : i32 to vector<8x2048xi32>
        %shift_right_logical3A_242 = arith.shrui %xor3A_235, %shift_right_logical3A_241 : vector<8x2048xi32>
        %or3A_243 = arith.ori %shift_left3A_239, %shift_right_logical3A_242 : vector<8x2048xi32>
        %xor3A_244 = arith.xori %add3A_236, %or3A_243 : vector<8x2048xi32>
        %add3A_245 = arith.addi %add3A_236, %xor3A_244 : vector<8x2048xi32>
        %shift_left3A_246 = arith.constant 6 : i32
        %shift_left3A_247 = vector.broadcast %shift_left3A_246 : i32 to vector<8x2048xi32>
        %shift_left3A_248 = arith.shli %xor3A_244, %shift_left3A_247 : vector<8x2048xi32>
        %shift_right_logical3A_249 = arith.constant 26 : i32
        %shift_right_logical3A_250 = vector.broadcast %shift_right_logical3A_249 : i32 to vector<8x2048xi32>
        %shift_right_logical3A_251 = arith.shrui %xor3A_244, %shift_right_logical3A_250 : vector<8x2048xi32>
        %or3A_252 = arith.ori %shift_left3A_248, %shift_right_logical3A_251 : vector<8x2048xi32>
        %xor3A_253 = arith.xori %add3A_245, %or3A_252 : vector<8x2048xi32>
        %add3A_254 = arith.constant 466689008 : i32
        %add3A_255 = vector.broadcast %add3A_254 : i32 to vector<8x2048xi32>
        %add3A_256 = arith.addi %add3A_245, %add3A_255 : vector<8x2048xi32>
        %add3A_257 = arith.constant 5 : i32
        %add3A_258 = vector.broadcast %add3A_257 : i32 to vector<8x2048xi32>
        %add3A_259 = arith.addi %xor3A_253, %add3A_258 : vector<8x2048xi32>
        %xor3A_260 = arith.xori %add3A_256, %add3A_259 : vector<8x2048xi32>
        %shift_right_logical3A_261 = arith.constant 9 : i32
        %shift_right_logical3A_262 = vector.broadcast %shift_right_logical3A_261 : i32 to vector<8x2048xi32>
        %shift_right_logical3A_263 = arith.shrui %xor3A_260, %shift_right_logical3A_262 : vector<8x2048xi32>
        %or3A_264 = arith.constant 1065353216 : i32
        %or3A_265 = vector.broadcast %or3A_264 : i32 to vector<8x2048xi32>
        %or3A_266 = arith.ori %shift_right_logical3A_263, %or3A_265 : vector<8x2048xi32>
        %bitcast_convert_type3A = tpu.bitcast %or3A_266 : vector<8x2048xi32> -> vector<8x2048xf32>
        %sub3A = arith.constant 1.000000e+00 : f32
        %sub3A_267 = vector.broadcast %sub3A : f32 to vector<8x2048xf32>
        %sub3A_268 = arith.subf %bitcast_convert_type3A, %sub3A_267 : vector<8x2048xf32>
        %add3A_269 = arith.constant 1.000000e-10 : f32
        %add3A_270 = vector.broadcast %add3A_269 : f32 to vector<8x2048xf32>
        %add3A_271 = arith.addf %sub3A_268, %add3A_270 : vector<8x2048xf32>
        %log3A = math.log %add3A_271 : vector<8x2048xf32>
        %neg3A = arith.constant 0.000000e+00 : f32
        %neg3A_272 = vector.broadcast %neg3A : f32 to vector<8x2048xf32>
        %neg3A_273 = arith.subf %neg3A_272, %log3A : vector<8x2048xf32>
        %log3A_274 = math.log %neg3A_273 : vector<8x2048xf32>
        %neg3A_275 = arith.constant 0.000000e+00 : f32
        %neg3A_276 = vector.broadcast %neg3A_275 : f32 to vector<8x2048xf32>
        %neg3A_277 = arith.subf %neg3A_276, %log3A_274 : vector<8x2048xf32>
        %add3A_278 = arith.addf %get3A_51, %neg3A_277 : vector<8x2048xf32>
        %slice3A = vector.extract_strided_slice %add3A_278 {offsets = [0, 0], sizes = [8, 128], strides = [1, 1]} : vector<8x2048xf32> to vector<8x128xf32>
        %slice3A_279 = vector.extract_strided_slice %add3A_278 {offsets = [0, 128], sizes = [8, 128], strides = [1, 1]} : vector<8x2048xf32> to vector<8x128xf32>
        %slice3A_280 = vector.extract_strided_slice %add3A_278 {offsets = [0, 256], sizes = [8, 128], strides = [1, 1]} : vector<8x2048xf32> to vector<8x128xf32>
        %slice3A_281 = vector.extract_strided_slice %add3A_278 {offsets = [0, 384], sizes = [8, 128], strides = [1, 1]} : vector<8x2048xf32> to vector<8x128xf32>
        %slice3A_282 = vector.extract_strided_slice %add3A_278 {offsets = [0, 512], sizes = [8, 128], strides = [1, 1]} : vector<8x2048xf32> to vector<8x128xf32>
        %slice3A_283 = vector.extract_strided_slice %add3A_278 {offsets = [0, 640], sizes = [8, 128], strides = [1, 1]} : vector<8x2048xf32> to vector<8x128xf32>
        %slice3A_284 = vector.extract_strided_slice %add3A_278 {offsets = [0, 768], sizes = [8, 128], strides = [1, 1]} : vector<8x2048xf32> to vector<8x128xf32>
        %slice3A_285 = vector.extract_strided_slice %add3A_278 {offsets = [0, 896], sizes = [8, 128], strides = [1, 1]} : vector<8x2048xf32> to vector<8x128xf32>
        %slice3A_286 = vector.extract_strided_slice %add3A_278 {offsets = [0, 1024], sizes = [8, 128], strides = [1, 1]} : vector<8x2048xf32> to vector<8x128xf32>
        %slice3A_287 = vector.extract_strided_slice %add3A_278 {offsets = [0, 1152], sizes = [8, 128], strides = [1, 1]} : vector<8x2048xf32> to vector<8x128xf32>
        %slice3A_288 = vector.extract_strided_slice %add3A_278 {offsets = [0, 1280], sizes = [8, 128], strides = [1, 1]} : vector<8x2048xf32> to vector<8x128xf32>
        %slice3A_289 = vector.extract_strided_slice %add3A_278 {offsets = [0, 1408], sizes = [8, 128], strides = [1, 1]} : vector<8x2048xf32> to vector<8x128xf32>
        %slice3A_290 = vector.extract_strided_slice %add3A_278 {offsets = [0, 1536], sizes = [8, 128], strides = [1, 1]} : vector<8x2048xf32> to vector<8x128xf32>
        %slice3A_291 = vector.extract_strided_slice %add3A_278 {offsets = [0, 1664], sizes = [8, 128], strides = [1, 1]} : vector<8x2048xf32> to vector<8x128xf32>
        %slice3A_292 = vector.extract_strided_slice %add3A_278 {offsets = [0, 1792], sizes = [8, 128], strides = [1, 1]} : vector<8x2048xf32> to vector<8x128xf32>
        %slice3A_293 = vector.extract_strided_slice %add3A_278 {offsets = [0, 1920], sizes = [8, 128], strides = [1, 1]} : vector<8x2048xf32> to vector<8x128xf32>
        %max3A = arith.maximumf %slice3A, %slice3A_279 : vector<8x128xf32>
        %max3A_294 = arith.maximumf %slice3A_280, %slice3A_281 : vector<8x128xf32>
        %max3A_295 = arith.maximumf %slice3A_282, %slice3A_283 : vector<8x128xf32>
        %max3A_296 = arith.maximumf %slice3A_284, %slice3A_285 : vector<8x128xf32>
        %max3A_297 = arith.maximumf %slice3A_286, %slice3A_287 : vector<8x128xf32>
        %max3A_298 = arith.maximumf %slice3A_288, %slice3A_289 : vector<8x128xf32>
        %max3A_299 = arith.maximumf %slice3A_290, %slice3A_291 : vector<8x128xf32>
        %max3A_300 = arith.maximumf %slice3A_292, %slice3A_293 : vector<8x128xf32>
        %max3A_301 = arith.maximumf %max3A, %max3A_294 : vector<8x128xf32>
        %max3A_302 = arith.maximumf %max3A_295, %max3A_296 : vector<8x128xf32>
        %max3A_303 = arith.maximumf %max3A_297, %max3A_298 : vector<8x128xf32>
        %max3A_304 = arith.maximumf %max3A_299, %max3A_300 : vector<8x128xf32>
        %max3A_305 = arith.maximumf %max3A_301, %max3A_302 : vector<8x128xf32>
        %max3A_306 = arith.maximumf %max3A_303, %max3A_304 : vector<8x128xf32>
        %max3A_307 = arith.maximumf %max3A_305, %max3A_306 : vector<8x128xf32>
        %gt3A = arith.cmpf ogt, %max3A_307, %scan3A_38 : vector<8x128xf32>
        %select_n3A = arith.select %gt3A, %max3A_307, %scan3A_38 : vector<8x128xi1>, vector<8x128xf32>
        %mul3A_308 = arith.constant 64 : i32
        %mul3A_309 = arith.muli %arg1, %mul3A_308 : i32
        %add3A_310 = arith.addi %mul3A_309, %scan3A_37 : i32
        %broadcast_in_dim3A_311 = vector.broadcast %add3A_310 : i32 to vector<8x128xi32>
        %select_n3A_312 = arith.select %gt3A, %broadcast_in_dim3A_311, %scan3A_39 : vector<8x128xi1>, vector<8x128xi32>
        scf.yield %select_n3A, %select_n3A_312 : vector<8x128xf32>, vector<8x128xi32>
      }
      %scan3A_30 = arith.constant 64 : i32
      %swap3A_31 = arith.constant 0 : index
      %swap3A_32 = arith.constant 0 : index
      %swap3A_33 = vector.load %arg6[%swap3A_31, %swap3A_32] : memref<8x128xf32, #tpu.memory_space<vmem>>, vector<8x128xf32>
      tpu.vector_store %arg6[%swap3A_31, %swap3A_32], %scan3A_29#0 {strides = array<i32>} : memref<8x128xf32, #tpu.memory_space<vmem>>, vector<8x128xf32>,
      %swap3A_34 = arith.constant 0 : index
      %swap3A_35 = arith.constant 0 : index
      %swap3A_36 = vector.load %arg7[%swap3A_34, %swap3A_35] : memref<8x128xi32, #tpu.memory_space<vmem>>, vector<8x128xi32>
      tpu.vector_store %arg7[%swap3A_34, %swap3A_35], %scan3A_29#1 {strides = array<i32>} : memref<8x128xi32, #tpu.memory_space<vmem>>, vector<8x128xi32>,
    } else {
    }
    %eq3A_16 = arith.constant 7 : i32
    %eq3A_17 = arith.cmpi eq, %arg1, %eq3A_16 : i32
    %convert_element_type3A_18 = arith.extui %eq3A_17 : i1 to i32
    %cond3A_19 = arith.constant 0 : i32
    %cond3A_20 = arith.cmpi ne, %convert_element_type3A_18, %cond3A_19 : i32
    scf.if %cond3A_20 {
      %get3A = arith.constant 0 : index
      %get3A_21 = arith.constant 0 : index
      %get3A_22 = vector.load %arg6[%get3A, %get3A_21] : memref<8x128xf32, #tpu.memory_space<vmem>>, vector<8x128xf32>
      %get3A_23 = arith.constant 0 : index
      %get3A_24 = arith.constant 0 : index
      %get3A_25 = vector.load %arg7[%get3A_23, %get3A_24] : memref<8x128xi32, #tpu.memory_space<vmem>>, vector<8x128xi32>
      %scan3A = arith.constant 0 : i32
      %scan3A_26 = arith.constant 41 : i32
      %scan3A_27 = arith.addi %scan3A, %scan3A_26 : i32
      %scan3A_28 = arith.constant 1 : i32
      %scan3A_29:2 = scf.for %scan3A_44 = %scan3A to %scan3A_27 step %scan3A_28 iter_args(%scan3A_45 = %get3A_22, %scan3A_46 = %get3A_25) -> (vector<8x128xf32>, vector<8x128xi32>)  : i32 {
        %mul3A_47 = arith.constant 131072 : i32
        %mul3A_48 = arith.muli %arg1, %mul3A_47 : i32
        %mul3A_49 = arith.constant 2048 : i32
        %mul3A_50 = arith.muli %scan3A_44, %mul3A_49 : i32
        %add3A_51 = arith.addi %mul3A_48, %mul3A_50 : i32
        %add3A_52 = vector.broadcast %add3A_51 : i32 to vector<8x2048xi32>
        %add3A_53 = arith.addi %add3A_9, %add3A_52 : vector<8x2048xi32>
        %mul3A_54 = arith.constant 2048 : i32
        %mul3A_55 = arith.muli %scan3A_44, %mul3A_54 : i32
        %get3A_56 = arith.constant 0 : index
        %get3A_57 = arith.index_cast %mul3A_55 : i32 to index
        %get3A_58 = vector.load %arg2[%get3A_56, %get3A_57] : memref<8x131072xf32, #tpu.memory_space<vmem>>, vector<8x2048xf32>
        %add3A_59 = arith.constant 42 : i32
        %add3A_60 = vector.broadcast %add3A_59 : i32 to vector<8x2048xi32>
        %add3A_61 = arith.addi %add3A_53, %add3A_60 : vector<8x2048xi32>
        %shift_left3A = arith.constant 13 : i32
        %shift_left3A_62 = vector.broadcast %shift_left3A : i32 to vector<8x2048xi32>
        %shift_left3A_63 = arith.shli %add3A_61, %shift_left3A_62 : vector<8x2048xi32>
        %shift_right_logical3A = arith.constant 19 : i32
        %shift_right_logical3A_64 = vector.broadcast %shift_right_logical3A : i32 to vector<8x2048xi32>
        %shift_right_logical3A_65 = arith.shrui %add3A_61, %shift_right_logical3A_64 : vector<8x2048xi32>
        %or3A = arith.ori %shift_left3A_63, %shift_right_logical3A_65 : vector<8x2048xi32>
        %xor3A = arith.xori %or3A, %add3A_61 : vector<8x2048xi32>
        %add3A_66 = arith.addi %add3A_61, %xor3A : vector<8x2048xi32>
        %shift_left3A_67 = arith.constant 15 : i32
        %shift_left3A_68 = vector.broadcast %shift_left3A_67 : i32 to vector<8x2048xi32>
        %shift_left3A_69 = arith.shli %xor3A, %shift_left3A_68 : vector<8x2048xi32>
        %shift_right_logical3A_70 = arith.constant 17 : i32
        %shift_right_logical3A_71 = vector.broadcast %shift_right_logical3A_70 : i32 to vector<8x2048xi32>
        %shift_right_logical3A_72 = arith.shrui %xor3A, %shift_right_logical3A_71 : vector<8x2048xi32>
        %or3A_73 = arith.ori %shift_left3A_69, %shift_right_logical3A_72 : vector<8x2048xi32>
        %xor3A_74 = arith.xori %add3A_66, %or3A_73 : vector<8x2048xi32>
        %add3A_75 = arith.addi %add3A_66, %xor3A_74 : vector<8x2048xi32>
        %shift_left3A_76 = arith.constant 26 : i32
        %shift_left3A_77 = vector.broadcast %shift_left3A_76 : i32 to vector<8x2048xi32>
        %shift_left3A_78 = arith.shli %xor3A_74, %shift_left3A_77 : vector<8x2048xi32>
        %shift_right_logical3A_79 = arith.constant 6 : i32
        %shift_right_logical3A_80 = vector.broadcast %shift_right_logical3A_79 : i32 to vector<8x2048xi32>
        %shift_right_logical3A_81 = arith.shrui %xor3A_74, %shift_right_logical3A_80 : vector<8x2048xi32>
        %or3A_82 = arith.ori %shift_left3A_78, %shift_right_logical3A_81 : vector<8x2048xi32>
        %xor3A_83 = arith.xori %add3A_75, %or3A_82 : vector<8x2048xi32>
        %add3A_84 = arith.addi %add3A_75, %xor3A_83 : vector<8x2048xi32>
        %shift_left3A_85 = arith.constant 6 : i32
        %shift_left3A_86 = vector.broadcast %shift_left3A_85 : i32 to vector<8x2048xi32>
        %shift_left3A_87 = arith.shli %xor3A_83, %shift_left3A_86 : vector<8x2048xi32>
        %shift_right_logical3A_88 = arith.constant 26 : i32
        %shift_right_logical3A_89 = vector.broadcast %shift_right_logical3A_88 : i32 to vector<8x2048xi32>
        %shift_right_logical3A_90 = arith.shrui %xor3A_83, %shift_right_logical3A_89 : vector<8x2048xi32>
        %or3A_91 = arith.ori %shift_left3A_87, %shift_right_logical3A_90 : vector<8x2048xi32>
        %xor3A_92 = arith.xori %add3A_84, %or3A_91 : vector<8x2048xi32>
        %add3A_93 = arith.constant 42 : i32
        %add3A_94 = vector.broadcast %add3A_93 : i32 to vector<8x2048xi32>
        %add3A_95 = arith.addi %add3A_84, %add3A_94 : vector<8x2048xi32>
        %add3A_96 = arith.constant 466689009 : i32
        %add3A_97 = vector.broadcast %add3A_96 : i32 to vector<8x2048xi32>
        %add3A_98 = arith.addi %xor3A_92, %add3A_97 : vector<8x2048xi32>
        %add3A_99 = arith.addi %add3A_95, %add3A_98 : vector<8x2048xi32>
        %shift_left3A_100 = arith.constant 17 : i32
        %shift_left3A_101 = vector.broadcast %shift_left3A_100 : i32 to vector<8x2048xi32>
        %shift_left3A_102 = arith.shli %add3A_98, %shift_left3A_101 : vector<8x2048xi32>
        %shift_right_logical3A_103 = arith.constant 15 : i32
        %shift_right_logical3A_104 = vector.broadcast %shift_right_logical3A_103 : i32 to vector<8x2048xi32>
        %shift_right_logical3A_105 = arith.shrui %add3A_98, %shift_right_logical3A_104 : vector<8x2048xi32>
        %or3A_106 = arith.ori %shift_left3A_102, %shift_right_logical3A_105 : vector<8x2048xi32>
        %xor3A_107 = arith.xori %add3A_99, %or3A_106 : vector<8x2048xi32>
        %add3A_108 = arith.addi %add3A_99, %xor3A_107 : vector<8x2048xi32>
        %shift_left3A_109 = arith.constant 29 : i32
        %shift_left3A_110 = vector.broadcast %shift_left3A_109 : i32 to vector<8x2048xi32>
        %shift_left3A_111 = arith.shli %xor3A_107, %shift_left3A_110 : vector<8x2048xi32>
        %shift_right_logical3A_112 = arith.constant 3 : i32
        %shift_right_logical3A_113 = vector.broadcast %shift_right_logical3A_112 : i32 to vector<8x2048xi32>
        %shift_right_logical3A_114 = arith.shrui %xor3A_107, %shift_right_logical3A_113 : vector<8x2048xi32>
        %or3A_115 = arith.ori %shift_left3A_111, %shift_right_logical3A_114 : vector<8x2048xi32>
        %xor3A_116 = arith.xori %add3A_108, %or3A_115 : vector<8x2048xi32>
        %add3A_117 = arith.addi %add3A_108, %xor3A_116 : vector<8x2048xi32>
        %shift_left3A_118 = arith.constant 16 : i32
        %shift_left3A_119 = vector.broadcast %shift_left3A_118 : i32 to vector<8x2048xi32>
        %shift_left3A_120 = arith.shli %xor3A_116, %shift_left3A_119 : vector<8x2048xi32>
        %shift_right_logical3A_121 = arith.constant 16 : i32
        %shift_right_logical3A_122 = vector.broadcast %shift_right_logical3A_121 : i32 to vector<8x2048xi32>
        %shift_right_logical3A_123 = arith.shrui %xor3A_116, %shift_right_logical3A_122 : vector<8x2048xi32>
        %or3A_124 = arith.ori %shift_left3A_120, %shift_right_logical3A_123 : vector<8x2048xi32>
        %xor3A_125 = arith.xori %add3A_117, %or3A_124 : vector<8x2048xi32>
        %add3A_126 = arith.addi %add3A_117, %xor3A_125 : vector<8x2048xi32>
        %shift_left3A_127 = arith.constant 24 : i32
        %shift_left3A_128 = vector.broadcast %shift_left3A_127 : i32 to vector<8x2048xi32>
        %shift_left3A_129 = arith.shli %xor3A_125, %shift_left3A_128 : vector<8x2048xi32>
        %shift_right_logical3A_130 = arith.constant 8 : i32
        %shift_right_logical3A_131 = vector.broadcast %shift_right_logical3A_130 : i32 to vector<8x2048xi32>
        %shift_right_logical3A_132 = arith.shrui %xor3A_125, %shift_right_logical3A_131 : vector<8x2048xi32>
        %or3A_133 = arith.ori %shift_left3A_129, %shift_right_logical3A_132 : vector<8x2048xi32>
        %xor3A_134 = arith.xori %add3A_126, %or3A_133 : vector<8x2048xi32>
        %add3A_135 = arith.constant 466689008 : i32
        %add3A_136 = vector.broadcast %add3A_135 : i32 to vector<8x2048xi32>
        %add3A_137 = arith.addi %add3A_126, %add3A_136 : vector<8x2048xi32>
        %add3A_138 = arith.constant 2 : i32
        %add3A_139 = vector.broadcast %add3A_138 : i32 to vector<8x2048xi32>
        %add3A_140 = arith.addi %xor3A_134, %add3A_139 : vector<8x2048xi32>
        %add3A_141 = arith.addi %add3A_137, %add3A_140 : vector<8x2048xi32>
        %shift_left3A_142 = arith.constant 13 : i32
        %shift_left3A_143 = vector.broadcast %shift_left3A_142 : i32 to vector<8x2048xi32>
        %shift_left3A_144 = arith.shli %add3A_140, %shift_left3A_143 : vector<8x2048xi32>
        %shift_right_logical3A_145 = arith.constant 19 : i32
        %shift_right_logical3A_146 = vector.broadcast %shift_right_logical3A_145 : i32 to vector<8x2048xi32>
        %shift_right_logical3A_147 = arith.shrui %add3A_140, %shift_right_logical3A_146 : vector<8x2048xi32>
        %or3A_148 = arith.ori %shift_left3A_144, %shift_right_logical3A_147 : vector<8x2048xi32>
        %xor3A_149 = arith.xori %add3A_141, %or3A_148 : vector<8x2048xi32>
        %add3A_150 = arith.addi %add3A_141, %xor3A_149 : vector<8x2048xi32>
        %shift_left3A_151 = arith.constant 15 : i32
        %shift_left3A_152 = vector.broadcast %shift_left3A_151 : i32 to vector<8x2048xi32>
        %shift_left3A_153 = arith.shli %xor3A_149, %shift_left3A_152 : vector<8x2048xi32>
        %shift_right_logical3A_154 = arith.constant 17 : i32
        %shift_right_logical3A_155 = vector.broadcast %shift_right_logical3A_154 : i32 to vector<8x2048xi32>
        %shift_right_logical3A_156 = arith.shrui %xor3A_149, %shift_right_logical3A_155 : vector<8x2048xi32>
        %or3A_157 = arith.ori %shift_left3A_153, %shift_right_logical3A_156 : vector<8x2048xi32>
        %xor3A_158 = arith.xori %add3A_150, %or3A_157 : vector<8x2048xi32>
        %add3A_159 = arith.addi %add3A_150, %xor3A_158 : vector<8x2048xi32>
        %shift_left3A_160 = arith.constant 26 : i32
        %shift_left3A_161 = vector.broadcast %shift_left3A_160 : i32 to vector<8x2048xi32>
        %shift_left3A_162 = arith.shli %xor3A_158, %shift_left3A_161 : vector<8x2048xi32>
        %shift_right_logical3A_163 = arith.constant 6 : i32
        %shift_right_logical3A_164 = vector.broadcast %shift_right_logical3A_163 : i32 to vector<8x2048xi32>
        %shift_right_logical3A_165 = arith.shrui %xor3A_158, %shift_right_logical3A_164 : vector<8x2048xi32>
        %or3A_166 = arith.ori %shift_left3A_162, %shift_right_logical3A_165 : vector<8x2048xi32>
        %xor3A_167 = arith.xori %add3A_159, %or3A_166 : vector<8x2048xi32>
        %add3A_168 = arith.addi %add3A_159, %xor3A_167 : vector<8x2048xi32>
        %shift_left3A_169 = arith.constant 6 : i32
        %shift_left3A_170 = vector.broadcast %shift_left3A_169 : i32 to vector<8x2048xi32>
        %shift_left3A_171 = arith.shli %xor3A_167, %shift_left3A_170 : vector<8x2048xi32>
        %shift_right_logical3A_172 = arith.constant 26 : i32
        %shift_right_logical3A_173 = vector.broadcast %shift_right_logical3A_172 : i32 to vector<8x2048xi32>
        %shift_right_logical3A_174 = arith.shrui %xor3A_167, %shift_right_logical3A_173 : vector<8x2048xi32>
        %or3A_175 = arith.ori %shift_left3A_171, %shift_right_logical3A_174 : vector<8x2048xi32>
        %xor3A_176 = arith.xori %add3A_168, %or3A_175 : vector<8x2048xi32>
        %add3A_177 = arith.constant 0 : i32
        %add3A_178 = vector.broadcast %add3A_177 : i32 to vector<8x2048xi32>
        %add3A_179 = arith.addi %add3A_168, %add3A_178 : vector<8x2048xi32>
        %add3A_180 = arith.constant 45 : i32
        %add3A_181 = vector.broadcast %add3A_180 : i32 to vector<8x2048xi32>
        %add3A_182 = arith.addi %xor3A_176, %add3A_181 : vector<8x2048xi32>
        %add3A_183 = arith.addi %add3A_179, %add3A_182 : vector<8x2048xi32>
        %shift_left3A_184 = arith.constant 17 : i32
        %shift_left3A_185 = vector.broadcast %shift_left3A_184 : i32 to vector<8x2048xi32>
        %shift_left3A_186 = arith.shli %add3A_182, %shift_left3A_185 : vector<8x2048xi32>
        %shift_right_logical3A_187 = arith.constant 15 : i32
        %shift_right_logical3A_188 = vector.broadcast %shift_right_logical3A_187 : i32 to vector<8x2048xi32>
        %shift_right_logical3A_189 = arith.shrui %add3A_182, %shift_right_logical3A_188 : vector<8x2048xi32>
        %or3A_190 = arith.ori %shift_left3A_186, %shift_right_logical3A_189 : vector<8x2048xi32>
        %xor3A_191 = arith.xori %add3A_183, %or3A_190 : vector<8x2048xi32>
        %add3A_192 = arith.addi %add3A_183, %xor3A_191 : vector<8x2048xi32>
        %shift_left3A_193 = arith.constant 29 : i32
        %shift_left3A_194 = vector.broadcast %shift_left3A_193 : i32 to vector<8x2048xi32>
        %shift_left3A_195 = arith.shli %xor3A_191, %shift_left3A_194 : vector<8x2048xi32>
        %shift_right_logical3A_196 = arith.constant 3 : i32
        %shift_right_logical3A_197 = vector.broadcast %shift_right_logical3A_196 : i32 to vector<8x2048xi32>
        %shift_right_logical3A_198 = arith.shrui %xor3A_191, %shift_right_logical3A_197 : vector<8x2048xi32>
        %or3A_199 = arith.ori %shift_left3A_195, %shift_right_logical3A_198 : vector<8x2048xi32>
        %xor3A_200 = arith.xori %add3A_192, %or3A_199 : vector<8x2048xi32>
        %add3A_201 = arith.addi %add3A_192, %xor3A_200 : vector<8x2048xi32>
        %shift_left3A_202 = arith.constant 16 : i32
        %shift_left3A_203 = vector.broadcast %shift_left3A_202 : i32 to vector<8x2048xi32>
        %shift_left3A_204 = arith.shli %xor3A_200, %shift_left3A_203 : vector<8x2048xi32>
        %shift_right_logical3A_205 = arith.constant 16 : i32
        %shift_right_logical3A_206 = vector.broadcast %shift_right_logical3A_205 : i32 to vector<8x2048xi32>
        %shift_right_logical3A_207 = arith.shrui %xor3A_200, %shift_right_logical3A_206 : vector<8x2048xi32>
        %or3A_208 = arith.ori %shift_left3A_204, %shift_right_logical3A_207 : vector<8x2048xi32>
        %xor3A_209 = arith.xori %add3A_201, %or3A_208 : vector<8x2048xi32>
        %add3A_210 = arith.addi %add3A_201, %xor3A_209 : vector<8x2048xi32>
        %shift_left3A_211 = arith.constant 24 : i32
        %shift_left3A_212 = vector.broadcast %shift_left3A_211 : i32 to vector<8x2048xi32>
        %shift_left3A_213 = arith.shli %xor3A_209, %shift_left3A_212 : vector<8x2048xi32>
        %shift_right_logical3A_214 = arith.constant 8 : i32
        %shift_right_logical3A_215 = vector.broadcast %shift_right_logical3A_214 : i32 to vector<8x2048xi32>
        %shift_right_logical3A_216 = arith.shrui %xor3A_209, %shift_right_logical3A_215 : vector<8x2048xi32>
        %or3A_217 = arith.ori %shift_left3A_213, %shift_right_logical3A_216 : vector<8x2048xi32>
        %xor3A_218 = arith.xori %add3A_210, %or3A_217 : vector<8x2048xi32>
        %add3A_219 = arith.constant 42 : i32
        %add3A_220 = vector.broadcast %add3A_219 : i32 to vector<8x2048xi32>
        %add3A_221 = arith.addi %add3A_210, %add3A_220 : vector<8x2048xi32>
        %add3A_222 = arith.constant 466689012 : i32
        %add3A_223 = vector.broadcast %add3A_222 : i32 to vector<8x2048xi32>
        %add3A_224 = arith.addi %xor3A_218, %add3A_223 : vector<8x2048xi32>
        %add3A_225 = arith.addi %add3A_221, %add3A_224 : vector<8x2048xi32>
        %shift_left3A_226 = arith.constant 13 : i32
        %shift_left3A_227 = vector.broadcast %shift_left3A_226 : i32 to vector<8x2048xi32>
        %shift_left3A_228 = arith.shli %add3A_224, %shift_left3A_227 : vector<8x2048xi32>
        %shift_right_logical3A_229 = arith.constant 19 : i32
        %shift_right_logical3A_230 = vector.broadcast %shift_right_logical3A_229 : i32 to vector<8x2048xi32>
        %shift_right_logical3A_231 = arith.shrui %add3A_224, %shift_right_logical3A_230 : vector<8x2048xi32>
        %or3A_232 = arith.ori %shift_left3A_228, %shift_right_logical3A_231 : vector<8x2048xi32>
        %xor3A_233 = arith.xori %add3A_225, %or3A_232 : vector<8x2048xi32>
        %add3A_234 = arith.addi %add3A_225, %xor3A_233 : vector<8x2048xi32>
        %shift_left3A_235 = arith.constant 15 : i32
        %shift_left3A_236 = vector.broadcast %shift_left3A_235 : i32 to vector<8x2048xi32>
        %shift_left3A_237 = arith.shli %xor3A_233, %shift_left3A_236 : vector<8x2048xi32>
        %shift_right_logical3A_238 = arith.constant 17 : i32
        %shift_right_logical3A_239 = vector.broadcast %shift_right_logical3A_238 : i32 to vector<8x2048xi32>
        %shift_right_logical3A_240 = arith.shrui %xor3A_233, %shift_right_logical3A_239 : vector<8x2048xi32>
        %or3A_241 = arith.ori %shift_left3A_237, %shift_right_logical3A_240 : vector<8x2048xi32>
        %xor3A_242 = arith.xori %add3A_234, %or3A_241 : vector<8x2048xi32>
        %add3A_243 = arith.addi %add3A_234, %xor3A_242 : vector<8x2048xi32>
        %shift_left3A_244 = arith.constant 26 : i32
        %shift_left3A_245 = vector.broadcast %shift_left3A_244 : i32 to vector<8x2048xi32>
        %shift_left3A_246 = arith.shli %xor3A_242, %shift_left3A_245 : vector<8x2048xi32>
        %shift_right_logical3A_247 = arith.constant 6 : i32
        %shift_right_logical3A_248 = vector.broadcast %shift_right_logical3A_247 : i32 to vector<8x2048xi32>
        %shift_right_logical3A_249 = arith.shrui %xor3A_242, %shift_right_logical3A_248 : vector<8x2048xi32>
        %or3A_250 = arith.ori %shift_left3A_246, %shift_right_logical3A_249 : vector<8x2048xi32>
        %xor3A_251 = arith.xori %add3A_243, %or3A_250 : vector<8x2048xi32>
        %add3A_252 = arith.addi %add3A_243, %xor3A_251 : vector<8x2048xi32>
        %shift_left3A_253 = arith.constant 6 : i32
        %shift_left3A_254 = vector.broadcast %shift_left3A_253 : i32 to vector<8x2048xi32>
        %shift_left3A_255 = arith.shli %xor3A_251, %shift_left3A_254 : vector<8x2048xi32>
        %shift_right_logical3A_256 = arith.constant 26 : i32
        %shift_right_logical3A_257 = vector.broadcast %shift_right_logical3A_256 : i32 to vector<8x2048xi32>
        %shift_right_logical3A_258 = arith.shrui %xor3A_251, %shift_right_logical3A_257 : vector<8x2048xi32>
        %or3A_259 = arith.ori %shift_left3A_255, %shift_right_logical3A_258 : vector<8x2048xi32>
        %xor3A_260 = arith.xori %add3A_252, %or3A_259 : vector<8x2048xi32>
        %add3A_261 = arith.constant 466689008 : i32
        %add3A_262 = vector.broadcast %add3A_261 : i32 to vector<8x2048xi32>
        %add3A_263 = arith.addi %add3A_252, %add3A_262 : vector<8x2048xi32>
        %add3A_264 = arith.constant 5 : i32
        %add3A_265 = vector.broadcast %add3A_264 : i32 to vector<8x2048xi32>
        %add3A_266 = arith.addi %xor3A_260, %add3A_265 : vector<8x2048xi32>
        %xor3A_267 = arith.xori %add3A_263, %add3A_266 : vector<8x2048xi32>
        %shift_right_logical3A_268 = arith.constant 9 : i32
        %shift_right_logical3A_269 = vector.broadcast %shift_right_logical3A_268 : i32 to vector<8x2048xi32>
        %shift_right_logical3A_270 = arith.shrui %xor3A_267, %shift_right_logical3A_269 : vector<8x2048xi32>
        %or3A_271 = arith.constant 1065353216 : i32
        %or3A_272 = vector.broadcast %or3A_271 : i32 to vector<8x2048xi32>
        %or3A_273 = arith.ori %shift_right_logical3A_270, %or3A_272 : vector<8x2048xi32>
        %bitcast_convert_type3A = tpu.bitcast %or3A_273 : vector<8x2048xi32> -> vector<8x2048xf32>
        %sub3A = arith.constant 1.000000e+00 : f32
        %sub3A_274 = vector.broadcast %sub3A : f32 to vector<8x2048xf32>
        %sub3A_275 = arith.subf %bitcast_convert_type3A, %sub3A_274 : vector<8x2048xf32>
        %add3A_276 = arith.constant 1.000000e-10 : f32
        %add3A_277 = vector.broadcast %add3A_276 : f32 to vector<8x2048xf32>
        %add3A_278 = arith.addf %sub3A_275, %add3A_277 : vector<8x2048xf32>
        %log3A = math.log %add3A_278 : vector<8x2048xf32>
        %neg3A = arith.constant 0.000000e+00 : f32
        %neg3A_279 = vector.broadcast %neg3A : f32 to vector<8x2048xf32>
        %neg3A_280 = arith.subf %neg3A_279, %log3A : vector<8x2048xf32>
        %log3A_281 = math.log %neg3A_280 : vector<8x2048xf32>
        %neg3A_282 = arith.constant 0.000000e+00 : f32
        %neg3A_283 = vector.broadcast %neg3A_282 : f32 to vector<8x2048xf32>
        %neg3A_284 = arith.subf %neg3A_283, %log3A_281 : vector<8x2048xf32>
        %add3A_285 = arith.addf %get3A_58, %neg3A_284 : vector<8x2048xf32>
        %add3A_286 = vector.broadcast %add3A_51 : i32 to vector<8x2048xi32>
        %add3A_287 = arith.addi %iota3A, %add3A_286 : vector<8x2048xi32>
        %lt3A_288 = arith.constant 1000000 : i32
        %lt3A_289 = vector.broadcast %lt3A_288 : i32 to vector<8x2048xi32>
        %lt3A_290 = arith.cmpi slt, %add3A_287, %lt3A_289 : vector<8x2048xi32>
        %jit3A_291 = arith.constant 0xFF800000 : f32
        %broadcast_in_dim3A_292 = vector.broadcast %jit3A_291 : f32 to vector<8x2048xf32>
        %select_n3A_293 = arith.select %lt3A_290, %add3A_285, %broadcast_in_dim3A_292 : vector<8x2048xi1>, vector<8x2048xf32>
        %slice3A = vector.extract_strided_slice %select_n3A_293 {offsets = [0, 0], sizes = [8, 128], strides = [1, 1]} : vector<8x2048xf32> to vector<8x128xf32>
        %slice3A_294 = vector.extract_strided_slice %select_n3A_293 {offsets = [0, 128], sizes = [8, 128], strides = [1, 1]} : vector<8x2048xf32> to vector<8x128xf32>
        %slice3A_295 = vector.extract_strided_slice %select_n3A_293 {offsets = [0, 256], sizes = [8, 128], strides = [1, 1]} : vector<8x2048xf32> to vector<8x128xf32>
        %slice3A_296 = vector.extract_strided_slice %select_n3A_293 {offsets = [0, 384], sizes = [8, 128], strides = [1, 1]} : vector<8x2048xf32> to vector<8x128xf32>
        %slice3A_297 = vector.extract_strided_slice %select_n3A_293 {offsets = [0, 512], sizes = [8, 128], strides = [1, 1]} : vector<8x2048xf32> to vector<8x128xf32>
        %slice3A_298 = vector.extract_strided_slice %select_n3A_293 {offsets = [0, 640], sizes = [8, 128], strides = [1, 1]} : vector<8x2048xf32> to vector<8x128xf32>
        %slice3A_299 = vector.extract_strided_slice %select_n3A_293 {offsets = [0, 768], sizes = [8, 128], strides = [1, 1]} : vector<8x2048xf32> to vector<8x128xf32>
        %slice3A_300 = vector.extract_strided_slice %select_n3A_293 {offsets = [0, 896], sizes = [8, 128], strides = [1, 1]} : vector<8x2048xf32> to vector<8x128xf32>
        %slice3A_301 = vector.extract_strided_slice %select_n3A_293 {offsets = [0, 1024], sizes = [8, 128], strides = [1, 1]} : vector<8x2048xf32> to vector<8x128xf32>
        %slice3A_302 = vector.extract_strided_slice %select_n3A_293 {offsets = [0, 1152], sizes = [8, 128], strides = [1, 1]} : vector<8x2048xf32> to vector<8x128xf32>
        %slice3A_303 = vector.extract_strided_slice %select_n3A_293 {offsets = [0, 1280], sizes = [8, 128], strides = [1, 1]} : vector<8x2048xf32> to vector<8x128xf32>
        %slice3A_304 = vector.extract_strided_slice %select_n3A_293 {offsets = [0, 1408], sizes = [8, 128], strides = [1, 1]} : vector<8x2048xf32> to vector<8x128xf32>
        %slice3A_305 = vector.extract_strided_slice %select_n3A_293 {offsets = [0, 1536], sizes = [8, 128], strides = [1, 1]} : vector<8x2048xf32> to vector<8x128xf32>
        %slice3A_306 = vector.extract_strided_slice %select_n3A_293 {offsets = [0, 1664], sizes = [8, 128], strides = [1, 1]} : vector<8x2048xf32> to vector<8x128xf32>
        %slice3A_307 = vector.extract_strided_slice %select_n3A_293 {offsets = [0, 1792], sizes = [8, 128], strides = [1, 1]} : vector<8x2048xf32> to vector<8x128xf32>
        %slice3A_308 = vector.extract_strided_slice %select_n3A_293 {offsets = [0, 1920], sizes = [8, 128], strides = [1, 1]} : vector<8x2048xf32> to vector<8x128xf32>
        %max3A = arith.maximumf %slice3A, %slice3A_294 : vector<8x128xf32>
        %max3A_309 = arith.maximumf %slice3A_295, %slice3A_296 : vector<8x128xf32>
        %max3A_310 = arith.maximumf %slice3A_297, %slice3A_298 : vector<8x128xf32>
        %max3A_311 = arith.maximumf %slice3A_299, %slice3A_300 : vector<8x128xf32>
        %max3A_312 = arith.maximumf %slice3A_301, %slice3A_302 : vector<8x128xf32>
        %max3A_313 = arith.maximumf %slice3A_303, %slice3A_304 : vector<8x128xf32>
        %max3A_314 = arith.maximumf %slice3A_305, %slice3A_306 : vector<8x128xf32>
        %max3A_315 = arith.maximumf %slice3A_307, %slice3A_308 : vector<8x128xf32>
        %max3A_316 = arith.maximumf %max3A, %max3A_309 : vector<8x128xf32>
        %max3A_317 = arith.maximumf %max3A_310, %max3A_311 : vector<8x128xf32>
        %max3A_318 = arith.maximumf %max3A_312, %max3A_313 : vector<8x128xf32>
        %max3A_319 = arith.maximumf %max3A_314, %max3A_315 : vector<8x128xf32>
        %max3A_320 = arith.maximumf %max3A_316, %max3A_317 : vector<8x128xf32>
        %max3A_321 = arith.maximumf %max3A_318, %max3A_319 : vector<8x128xf32>
        %max3A_322 = arith.maximumf %max3A_320, %max3A_321 : vector<8x128xf32>
        %gt3A = arith.cmpf ogt, %max3A_322, %scan3A_45 : vector<8x128xf32>
        %select_n3A_323 = arith.select %gt3A, %max3A_322, %scan3A_45 : vector<8x128xi1>, vector<8x128xf32>
        %mul3A_324 = arith.constant 64 : i32
        %mul3A_325 = arith.muli %arg1, %mul3A_324 : i32
        %add3A_326 = arith.addi %mul3A_325, %scan3A_44 : i32
        %broadcast_in_dim3A_327 = vector.broadcast %add3A_326 : i32 to vector<8x128xi32>
        %select_n3A_328 = arith.select %gt3A, %broadcast_in_dim3A_327, %scan3A_46 : vector<8x128xi1>, vector<8x128xi32>
        scf.yield %select_n3A_323, %select_n3A_328 : vector<8x128xf32>, vector<8x128xi32>
      }
      %scan3A_30 = arith.constant 41 : i32
      %reduce_max3A = arith.constant dense<0xFF800000> : vector<8xf32>
      %reduce_max3A_31 = vector.multi_reduction <maximumf>, %scan3A_29#0, %reduce_max3A [1] : vector<8x128xf32> to vector<8xf32>
      %broadcast_in_dim3A_32 = vector.shape_cast %reduce_max3A_31 : vector<8xf32> to vector<8x1xf32>
      %eq3A_33 = vector.broadcast %broadcast_in_dim3A_32 : vector<8x1xf32> to vector<8x128xf32>
      %eq3A_34 = arith.cmpf oeq, %scan3A_29#0, %eq3A_33 : vector<8x128xf32>
      %jit3A = arith.constant 2147483647 : i32
      %broadcast_in_dim3A_35 = vector.broadcast %jit3A : i32 to vector<8x128xi32>
      %select_n3A = arith.select %eq3A_34, %scan3A_29#1, %broadcast_in_dim3A_35 : vector<8x128xi1>, vector<8x128xi32>
      %swap3A_36 = arith.constant 0 : index
      %swap3A_37 = arith.constant 0 : index
      %swap3A_38 = vector.load %arg3[%swap3A_36, %swap3A_37] : memref<8x1xf32, #tpu.memory_space<vmem>>, vector<8x1xf32>
      tpu.vector_store %arg3[%swap3A_36, %swap3A_37], %broadcast_in_dim3A_32 {strides = array<i32>} : memref<8x1xf32, #tpu.memory_space<vmem>>, vector<8x1xf32>,
      %reduce_min3A = arith.constant dense<2147483647> : vector<8xi32>
      %reduce_min3A_39 = vector.multi_reduction <minsi>, %select_n3A, %reduce_min3A [1] : vector<8x128xi32> to vector<8xi32>
      %broadcast_in_dim3A_40 = vector.shape_cast %reduce_min3A_39 : vector<8xi32> to vector<8x1xi32>
      %swap3A_41 = arith.constant 0 : index
      %swap3A_42 = arith.constant 0 : index
      %swap3A_43 = vector.load %arg4[%swap3A_41, %swap3A_42] : memref<8x1xi32, #tpu.memory_space<vmem>>, vector<8x1xi32>
      tpu.vector_store %arg4[%swap3A_41, %swap3A_42], %broadcast_in_dim3A_40 {strides = array<i32>} : memref<8x1xi32, #tpu.memory_space<vmem>>, vector<8x1xi32>,
    } else {
    }
    return
  }
  func.func @transform_0(%arg0: i32, %arg1: i32) -> (i32, i32) {
    %c0_i32 = arith.constant 0 : i32
    return %arg0, %arg1 : i32, i32
  }
  func.func @transform_1(%arg0: i32, %arg1: i32) -> (i32, i32) {
    %c0_i32 = arith.constant 0 : i32
    %c0_i32_0 = arith.constant 0 : i32
    return %arg0, %c0_i32 : i32, i32
  }
  func.func @transform_2(%arg0: i32, %arg1: i32) -> (i32, i32) {
    %c0_i32 = arith.constant 0 : i32
    %c0_i32_0 = arith.constant 0 : i32
    return %arg0, %c0_i32 : i32, i32
  }
  func.func @transform_3(%arg0: i32, %arg1: i32) -> (i32, i32) {
    %c0_i32 = arith.constant 0 : i32
    return %arg0, %arg1 : i32, i32
  }
}

</mosaic_0001>

<sc_bundles>
// kernel: kernel.5.cloned.1.call-start
scs
__scs_entry_jumppad:
0x0: {  	(pc) =	sbr.rel $0x88, $3  }
0x1: {  	(tag) =	ssettag $0x0;
	lr =	simm.s32 $0x1  }
0x2: {  	[smem:$0x3FA0] =	sst lr;
	_ =	strace $0xD0000000  }
0x3: {  	_ = 	snop  }
0x4: {  	_ = 	snop  }
0x5: {  	_ = 	snop  }
0x6: {  	_ = 	snop  }
0x7: {  	_ = 	snop  }
__scs_overlays_trampoline_lowered:
0x8: {  	[smem:$0x3FAF] =	sst s0  }
0x9: {  	[smem:$0x3FB0] =	sst s1  }
0xa: {  	[smem:$0x3FB1] =	sst s2  }
0xb: {  	[smem:$0x3FB2] =	sst s3  }
0xc: {  	[smem:$0x3FB3] =	sst s4  }
0xd: {  	[smem:$0x3FB4] =	sst s5  }
0xe: {  	[smem:$0x3FB5] =	sst s6  }
0xf: {  	[smem:$0x3FB6] =	sst s7  }
0x10: {  	[smem:$0x3FB7] =	sst s8  }
0x11: {  	[smem:$0x3FB8] =	sst s9;
	s0 =	simm.s32 @!p0 $0x0  }
0x12: {  	s1 =	sld [smem:$0x3F9E];
	s0 =	simm.s32 @p0 $0x1  }
0x13: {  	[smem:$0x3FB9] =	sst s0;
	s0 =	simm.s32 @!p1 $0x0  }
0x14: {  	s2 =	sld [smem:$0x3F9D];
	s0 =	simm.s32 @p1 $0x1  }
0x15: {  	[smem:$0x3FBA] =	sst s0;
	s0 =	simm.s32 @!p2 $0x0  }
0x16: {  	s3 =	sld [smem:$0x3FDB];
	s0 =	simm.s32 @p2 $0x1  }
0x17: {  	s4 =	simm.s32 $0x1BF5;
	[smem:$0x3FBC] =	sst s0  }
0x18: {  	s0 =	sld [smem:$0x3F9F];
	_ =	swait.ge [sflag:s4], $0x0  }
0x19: {  	s7 =	sld [smem:$0x3FA0]  }
0x1a: {  	s8 =	sadd.s32 $0xFFFFE003, lr  }
0x1b: {  	s9 =	sadd.s32 $0xFFFFFEF7, lr;
	s5 =	simm.s32 $0xFFFFFFFF;
	p2 =	slt.u32 s8, $0xFFFFF086  }
0x1c: {  	p1 =	slt.u32 s9, $0xF7A;
	s5 =	simm.s32 @!p2 $0x0  }
0x1d: {  	s5 =	simm.s32 @p1 $0x1;
	p0 =	seq.s32 s7, s2  }
0x1e: {  	s7 =	smul.u32 @!p0 $0xF7A, s2;
	p2 =	seq.s32 @!p0 s5, $0x0  }
0x1f: {  	s9 =	smul.u32 $0xF7A, s1;
	s8 =	simm.s32 @!p0 $0x1BF5;
	p2 =	por !p2, p0  }
0x20: {  	[sflag:s8] =	ssyncset.s32 @!p0 $0xFFFFF086;
	s6 =	sadd.s32 @!p0 s3, s7;
	s7 =	simm.s32 @!p0 $0x108  }
0x21: {  	s3 =	sadd.s32 s3, s9;
	s6 =	sadd.s32 @!p0 $0x88, s6;
	s7 =	simm.s32 @p2 $0x1082  }
0x22: {  	[simem:s7], [sflag:s8] =	dma.local @!p0 [hbm:s6], $0xF7A  }
0x23: {  	s9 =	sor.u32 $0xD0000000, s2;
	s6 =	simm.s32 $0x108;
	_ =	swait.ge @!p0 [sflag:s8], $0x0  }
0x24: {  	s3 =	sadd.s32 $0x88, s3;
	s6 =	simm.s32 @!p1 $0x1082;
	[sflag:s4] =	ssyncset.s32 $0xFFFFF086  }
0x25: {  	[simem:s6], [sflag:s4] =	dma.local [hbm:s3], $0xF7A  }
0x26: {  	[smem:$0x3FA0] =	sst s1;
	(tag) =	ssettag s2;
	_ =	strace s9  }
0x27: {  	s1 =	sld [smem:$0x3FB0]  }
0x28: {  	s2 =	sld [smem:$0x3FB1]  }
0x29: {  	s4 =	sld [smem:$0x3FB3]  }
0x2a: {  	p0 =	seq.s32 s5, $0x0;
	s5 =	sld [smem:$0x3FB4]  }
0x2b: {  	s6 =	sld [smem:$0x3FB5]  }
0x2c: {  	s7 =	sld [smem:$0x3FB6]  }
0x2d: {  	s3 =	simm.s32 $0x108;
	s8 =	sld [smem:$0x3FB7]  }
0x2e: {  	s3 =	simm.s32 @!p0 $0x1082;
	s9 =	sld [smem:$0x3FB8]  }
0x2f: {  	lr =	sadd.s32 s0, s3;
	s0 =	sld [smem:$0x3FAF]  }
0x30: {  	s3 =	sld [smem:$0x3FB2]  }
0x31: {  	[smem:$0x3FBB] =	sst s10  }
0x32: {  	s10 =	sld [smem:$0x3FB9];
	_ =	sdelay $0x3  }
0x33: {  	p0 =	seq.s32 s10, $0x1;
	s10 =	sld [smem:$0x3FBB];
	_ =	sdelay $0x3  }
0x34: {  	[smem:$0x3FBB] =	sst s10  }
0x35: {  	s10 =	sld [smem:$0x3FBA];
	_ =	sdelay $0x3  }
0x36: {  	p1 =	seq.s32 s10, $0x1;
	s10 =	sld [smem:$0x3FBB];
	_ =	sdelay $0x3  }
0x37: {  	[smem:$0x3FBB] =	sst s10  }
0x38: {  	s10 =	sld [smem:$0x3FBC]  }
0x39: {  	_ = 	snop;
	(pc) =	sbr.ind lr, $3  }
0x3a: {  	_ = 	snop  }
0x3b: {  	_ = 	snop  }
0x3c: {  	p2 =	seq.s32 s10, $0x1;
	s10 =	sld [smem:$0x3FBB]  }
0x3d: {  	_ =	shalt  }
0x3e: {  	_ =	shalt  }
0x3f: {  	_ =	shalt  }
0x40: {  	_ =	shalt  }
0x41: {  	_ =	shalt  }
0x42: {  	_ =	shalt  }
0x43: {  	_ =	shalt  }
0x44: {  	_ =	shalt  }
0x45: {  	_ =	shalt  }
0x46: {  	_ =	shalt  }
0x47: {  	_ =	shalt  }
0x48: {  	_ =	shalt  }
0x49: {  	_ =	shalt  }
0x4a: {  	_ =	shalt  }
0x4b: {  	_ =	shalt  }
0x4c: {  	_ =	shalt  }
0x4d: {  	_ =	shalt  }
0x4e: {  	_ =	shalt  }
0x4f: {  	_ =	shalt  }
0x50: {  	_ =	shalt  }
0x51: {  	_ =	shalt  }
0x52: {  	_ =	shalt  }
0x53: {  	_ =	shalt  }
0x54: {  	_ =	shalt  }
0x55: {  	_ =	shalt  }
0x56: {  	_ =	shalt  }
0x57: {  	_ =	shalt  }
0x58: {  	_ =	shalt  }
0x59: {  	_ =	shalt  }
0x5a: {  	_ =	shalt  }
0x5b: {  	_ =	shalt  }
0x5c: {  	_ =	shalt  }
0x5d: {  	_ =	shalt  }
0x5e: {  	_ =	shalt  }
0x5f: {  	_ =	shalt  }
0x60: {  	_ =	shalt  }
0x61: {  	_ =	shalt  }
0x62: {  	_ =	shalt  }
0x63: {  	_ =	shalt  }
0x64: {  	_ =	shalt  }
0x65: {  	_ =	shalt  }
0x66: {  	_ =	shalt  }
0x67: {  	_ =	shalt  }
0x68: {  	_ =	shalt  }
0x69: {  	_ =	shalt  }
0x6a: {  	_ =	shalt  }
0x6b: {  	_ =	shalt  }
0x6c: {  	_ =	shalt  }
0x6d: {  	_ =	shalt  }
0x6e: {  	_ =	shalt  }
0x6f: {  	_ =	shalt  }
0x70: {  	_ =	shalt  }
0x71: {  	_ =	shalt  }
0x72: {  	_ =	shalt  }
0x73: {  	_ =	shalt  }
0x74: {  	_ =	shalt  }
0x75: {  	_ =	shalt  }
0x76: {  	_ =	shalt  }
0x77: {  	_ =	shalt  }
0x78: {  	_ =	shalt  }
0x79: {  	_ =	shalt  }
0x7a: {  	_ =	shalt  }
0x7b: {  	_ =	shalt  }
0x7c: {  	_ =	shalt  }
0x7d: {  	_ =	shalt  }
0x7e: {  	_ =	shalt  }
0x7f: {  	_ =	shalt  }
0x80: {  	_ =	shalt  }
0x81: {  	_ =	shalt  }
0x82: {  	_ =	shalt  }
0x83: {  	_ =	shalt  }
0x84: {  	_ =	shalt  }
0x85: {  	_ =	shalt  }
0x86: {  	_ =	shalt  }
0x87: {  	_ =	shalt  }
.Lfunc_end0:
.L_simem_size_0:
called_computation_lowered:
.L_overlay_start_0:
0x88: {  	s2 =	sld [smem:$0x3FD9]  }
0x89: {  	s3 =	sld [smem:$0x3FFE];
	_ =	sdelay $0x1  }
0x8a: {  	s1 =	srdreg.scid  }
0x8b: {  	s0 =	sand.u32 $0x1, s1  }
0x8c: {  	s16 =	sshll.u32 s0, $0xA;
	s2 =	sadd.s32 s3, s2  }
0x8d: {  	s2 =	sadd.s32 s2, s16  }
0x8e: {  	[smem:$0x3FC7] =	sst s2  }
0x8f: {  	_ = 	snop  }
0x90: {  	(tm) =	ssettm $0x1  }
0x91: {  	s17 =	sld [smem:$0x3FFB];
	_ =	sdelay $0x3  }
0x92: {  	_ =	strace s17  }
0x93: {  	s2 =	sld [smem:$0x3FFC];
	_ =	sdelay $0x3  }
0x94: {  	_ =	strace s2  }
0x95: {  	s2 =	sld [smem:$0x3FFD];
	_ =	sdelay $0x3  }
0x96: {  	_ =	strace s2  }
0x97: {  	_ =	strace $0x8FFFFFFF  }
0x98: {  	s18 =	sld [smem:$0x3FDB];
	_ =	sdelay $0x1  }
0x99: {  	s19 =	simm.s32 $_scs_section_size  }
0x9a: {  	s4 =	simm.s32 $_size__tile_overlayer_lowered;
	s5 =	simm.s32 $_tile_overlayer_lowered  }
0x9b: {  	s22 =	simm.s32 $0x1BFF;
	s21 =	sshll.u32 s5, $0x1;
	s2 =	sadd.s32 s19, s18  }
0x9c: {  	s6 =	simm.s32 $0x0;
	s20 =	sshll.u32 s4, $0x1;
	s4 =	sadd.s32 s21, s2  }
0x9d: {  	[timem:s6], [sflag:s22] =	dma.local [hbm:s4], s20  }
0x9e: {  	_ =	swait.ge [sflag:s22], s20  }
0x9f: {  	s3 =	ssub.s32 $0x0, s20;
	[sflag:s22] =	ssyncset.done $0x0  }
0xa0: {  	[sflag:s22] =	ssyncadd.s32 s3;
	_ =	sdelay $0x1  }
0xa1: {  	s23 =	simm.s32 $0x1B8B  }
0xa2: {  	_ =	swait.ge [sflag:s23], $0x1  }
0xa3: {  	[sflag:s23] =	ssyncset.done $0x0  }
0xa4: {  	s25 =	simm.s32 $0x1B8E;
	s24 =	sld [smem:$0x3FFE];
	[sflag:s23] =	ssyncadd.s32 $0xFFFFFFFF  }
0xa5: {  	s26 =	simm.s32 $execute0_lowered;
	[smem:$0x3FD2] =	sst s25  }
0xa6: {  	s4 =	sshll.u32 s26, $0x1;
	_ =	strace $0x80000046;
	[dreg:$0x1] =	wrdreg $0xFFFFFFFF  }
0xa7: {  	s28 =	simm.s32 $_size_execute0_lowered;
	s2 =	sadd.s32 s2, s4;
	[dreg:$0x0] =	wrdreg $0x0  }
0xa8: {  	s4 =	sshll.u32 s28, $0x1;
	[dreg:$0x2] =	wrdreg s2  }
0xa9: {  	[dreg:$0x3] =	wrdreg s4  }
0xaa: {  	[dreg:$0x4] =	wrdreg $0xC0  }
0xab: {  	_ =	task [dreg:s6], $0x5FFFF  }
0xac: {  	[dreg:$0x1] =	wrdreg $0xFFFFFFFF  }
0xad: {  	[dreg:$0x0] =	wrdreg $0x60  }
0xae: {  	[dreg:$0x2] =	wrdreg s24  }
0xaf: {  	[dreg:$0x3] =	wrdreg $0x9  }
0xb0: {  	_ =	task.clear_ibuf [dreg:s6], $0x4FFFF;
	_ =	strace $0x90000046  }
0xb1: {  	s29 =	simm.s32 $0x9;
	_ =	strace $0x80000048  }
0xb2: {  	_ =	swait.ge [sflag:s29], $0x1  }
0xb3: {  	[sflag:s29] =	ssyncadd.s32 $0xFFFFFFFF  }
0xb4: {  	_ =	strace $0x90000048  }
0xb5: {  	_ =	sfence  }
0xb6: {  	s30 =	sld [smem:$0x0];
	_ =	sdelay $0x2  }
0xb7: {  	s31 =	sshll.u32 s1, $0xD;
	s1 =	sshrl.u32 s1, $0x2  }
0xb8: {  	s3 =	sand.u32 $0x4000, s31;
	s1 =	sadd.s32 s1, s30  }
0xb9: {  	s0 =	sor.u32 s3, s0;
	s1 =	sshll.u32 s1, $0x11  }
0xba: {  	s0 =	sor.u32 s1, s0  }
0xbb: {  	s0 =	sadd.s32 $0x8F2B, s0  }
0xbc: {  	[sflag:s0] =	ssyncadd.remote.s32 $0x1  }
0xbd: {  	_ =	sfence.sel $0xFFFF  }
0xbe: {  	[dreg:$0x0] =	wrdreg $0xFFFFFFFF;
	(pc) =	sbr.abs _section_cstart, $3  }
0xbf: {  	[dreg:$0x1] =	wrdreg $0xFFFFFFFF  }
0xc0: {  	_ =	task.clear_ibuf [dreg:s6], $0x2FFFF;
	_ =	strace $0x9FFFFFFF  }
0xc1: {  	(tm) =	ssettm $0x7FFFFFFF  }
tec
execute0_lowered:
.L_overlay_start_1:
0x0: {  	(tag) =	ssettag $0x1  }
0x1: {  	s0 =	srdreg.scid  }
0x2: {  	s6 =	sand.u32 $0x1, s0;
	s0 =	stileid.u32  }
0x3: {  	s3 =	sor.u32 s0, s6  }
0x4: {  	p0 =	sne.s32 s3, $0x0  }
.Ltmp0:
0x5: {  	_ = 	snop;
	(pc) =	sbr.rel @p0 .LBB2_4-.Ltmp0, $3  }
0x6: {  	_ =	sdelay $0x1  }
0x7: {  	s2 =	rddreg [dreg:$0x0]  }
0x8: {  	s1 =	rddreg [dreg:$0x1];
	_ =	strace $0x80000047  }
0x9: {  	s4 =	sadd.s32 $0x7A1200, s2;
	s3 =	simm.s32 $0x0;
	s6 =	ssub.s32 $0x2, s6  }
0xa: {  	[tilespmem:s3], [sflag:$0x2] =	stream.linear.gather [hbm4b:s4+s3], $0x80, $0x38;
	[tilespmem:$0x100] =	vst v63  }
0xb: {  	s5 =	simm.s32 $0x2;
	s7 =	sshrl.u32 s6, $0x1  }
0xc: {  	_ =	swait.ge [sflag:s5], $0x80;
	s9 =	ssub.s32 s6, s7  }
0xd: {  	[sflag:s5] =	ssyncset.done $0x0;
	p0 =	sne.s32 s9, $0x1  }
.Ltmp1:
0xe: {  	v0 =	vimm.f32 $1.000000000e+00;
	[sflag:s5] =	ssyncadd.s32 $0xFFFFFF80;
	(pc) =	sbr.rel @!p0 .LBB2_3-.Ltmp1, $4  }
0xf: {  	[tilespmem:$0xB0] =	vst v0  }
0x10: {  	[tilespmem:$0xA0] =	vst v0  }
0x11: {  	s8 =	simm.s32 $0x80;
	[tilespmem:$0x80] =	vst v0  }
0x12: {  	s6 =	simm.s32 $0x40;
	s7 =	simm.s32 $0x1;
	s9 =	sadd.s32 $0xFFFFFFFF, s9;
	[tilespmem:$0x90] =	vst v0  }
.LBB2_2:
0x13: {  	[hbm4b:s2+s6] =	stream.indirect.scatter [tilespmem:s8], [sflag:$0x1], $0x1, s3, s6, $0xb8;
	[tilespmem:$0x100] =	vst v63  }
0x14: {  	p0 =	sne.s32 s9, $0x1;
	s9 =	sadd.s32 $0xFFFFFFFF, s9;
	_ =	swait.ge [sflag:s7], $0x40  }
0x15: {  	[sflag:s7] =	ssyncset.done $0x0  }
0x16: {  	[sflag:s7] =	ssyncadd.s32 $0xFFFFFFC0  }
0x17: {  	[tilespmem:s3], [sflag:$0x2] =	stream.linear.gather [hbm4b:s4+s3], $0x80, $0x38;
	[tilespmem:$0x100] =	vst v63  }
0x18: {  	_ =	swait.ge [sflag:s5], $0x80  }
0x19: {  	[sflag:s5] =	ssyncset.done $0x0  }
.Ltmp2:
0x1a: {  	[sflag:s5] =	ssyncadd.s32 $0xFFFFFF80;
	(pc) =	sbr.rel @p0 .LBB2_2-.Ltmp2, $4  }
0x1b: {  	[tilespmem:$0xB0] =	vst v0  }
0x1c: {  	[tilespmem:$0xA0] =	vst v0  }
0x1d: {  	[tilespmem:$0x80] =	vst v0  }
0x1e: {  	[tilespmem:$0x90] =	vst v0  }
.LBB2_3:
0x1f: {  	[hbm4b:s2+s6] =	stream.indirect.scatter [tilespmem:s8], [sflag:$0x1], $0x1, s3, s6, $0xb8;
	[tilespmem:$0x100] =	vst v63  }
0x20: {  	_ =	swait.ge [sflag:s7], $0x40  }
0x21: {  	[sflag:s7] =	ssyncset.done $0x0  }
0x22: {  	[sflag:s7] =	ssyncadd.s32 $0xFFFFFFC0  }
.LBB2_4:
0x23: {  	_ =	sfence.sel $0x180000  }
0x24: {  	[bflag:$0x0] =	sbarrier.arrive $0xFFFF  }
0x25: {  	p0 =	sne.s32 s0, $0x0;
	_ =	strace $0x90000047  }
0x26: {  	s0 =	sadd.s32 @!p0 $0x100000, s1;
	[bflag:$0x2] =	sbarrier.arrive $0xFFFF  }
0x27: {  	[sflag:s0] =	ssyncadd.tile.s32 @!p0 $0x1;
	_ =	shalt  }
.Lfunc_end2:
_tile_overlayer_lowered:
.L_overlay_start_2:
0x28: {  	(tag) =	ssettag $0x2  }
0x29: {  	s0 =	rddreg [dreg:$0x0];
	s2 =	stileid.u32  }
0x2a: {  	s1 =	rddreg [dreg:$0x1];
	p0 =	sne.s32 s2, $0x0  }
0x2b: {  	s3 =	rddreg [dreg:$0x2];
	[bflag:$0x3] =	sbarrier.arrive $0xFFFF;
	s2 =	simm.s32 @!p0 $0x1C02  }
0x2c: {  	[timem:s3], [sflag:s2] =	dma.local @!p0 [hbm:s0], s1  }
0x2d: {  	s0 =	simm.s32 @!p0 $0x2  }
0x2e: {  	_ =	swait.ge @!p0 [sflag:s0], s1  }
0x2f: {  	s1 =	ssub.s32 @!p0 $0x0, s1;
	[sflag:s0] =	ssyncset.done @!p0 $0x0  }
0x30: {  	[sflag:s0] =	ssyncadd.s32 @!p0 s1  }
0x31: {  	[bflag:$0x3] =	sbarrier.arrive $0xFFFF  }
0x32: {  	_ =	shalt  }

</sc_bundles>
